<compile_context>
chip_gen: v7x
topology: tpu7x:2x2x1
jax: 0.10.2.dev20260603
libtpu: 0.0.44.dev20260713+nightly
codegen_flags: <defaults>
</compile_context>

<pallas_src>
import functools

import jax
import jax.numpy as jnp
from jax import lax
from jax.experimental import pallas as pl
from jax.experimental.pallas import tpu as pltpu
from jax.experimental.pallas import tpu_sc as plsc

_L = 16


@functools.cache
def _make_kernel(B, D, NC, NS):
    NW = NC * NS
    chunk = B // NW
    mesh = plsc.VectorSubcoreMesh(core_axis_name="c", subcore_axis_name="s")

    @functools.partial(
        pl.kernel,
        mesh=mesh,
        out_type=jax.ShapeDtypeStruct((B,), jnp.float32),
        compiler_params=pltpu.CompilerParams(
            needs_layout_passes=False, use_tc_tiling_on_sc=False),
        scratch_types=[
            pltpu.VMEM((chunk,), jnp.int32),
            pltpu.VMEM((chunk,), jnp.int32),
            pltpu.VMEM((chunk,), jnp.int32),
            pltpu.VMEM((chunk, D), jnp.float32),
            pltpu.VMEM((chunk, D), jnp.float32),
            pltpu.VMEM((chunk, D), jnp.float32),
            pltpu.VMEM((chunk,), jnp.float32),
            pltpu.VMEM((chunk,), jnp.float32),
            pltpu.SemaphoreType.DMA,
        ],
    )
    def body(i_hbm, j_hbm, k_hbm, u_hbm, v_hbm, b_hbm, out_hbm,
             ii, jj, kk, u_rows, vj_rows, vk_rows, b_v, out_v, sem):
        wid = lax.axis_index("s") * NC + lax.axis_index("c")
        base = wid * chunk
        pltpu.sync_copy(i_hbm.at[pl.ds(base, chunk)], ii)
        pltpu.sync_copy(j_hbm.at[pl.ds(base, chunk)], jj)
        pltpu.sync_copy(k_hbm.at[pl.ds(base, chunk)], kk)
        c1 = pltpu.async_copy(u_hbm.at[ii], u_rows, sem)
        c2 = pltpu.async_copy(v_hbm.at[jj], vj_rows, sem)
        c3 = pltpu.async_copy(v_hbm.at[kk], vk_rows, sem)
        c4 = pltpu.async_copy(b_hbm.at[ii], b_v, sem)
        c1.wait()
        c2.wait()
        c3.wait()
        c4.wait()

        nchunks = D // _L
        lane = lax.iota(jnp.int32, _L)

        def group(g, carry):
            s = jnp.zeros((_L,), jnp.float32)
            for rr in range(_L):
                r = g * _L + rr
                t = jnp.zeros((_L,), jnp.float32)
                for c in range(nchunks):
                    sl = pl.ds(c * _L, _L)
                    t = t + u_rows[r, sl] * (vj_rows[r, sl] - vk_rows[r, sl])
                s = jnp.where(lane == rr, jnp.sum(t), s)
            x = s + b_v[pl.ds(g * _L, _L)]
            out_v[pl.ds(g * _L, _L)] = 1.0 / (1.0 + jnp.exp(-x))
            return carry

        lax.fori_loop(0, chunk // _L, group, 0)
        pltpu.sync_copy(out_v, out_hbm.at[pl.ds(base, chunk)])

    return body


def kernel(i, j, k, u_weight, v_weight, b_weight):
    B = i.shape[0]
    D = u_weight.shape[1]
    try:
        info = plsc.get_sparse_core_info()
        NC, NS = info.num_cores, info.num_subcores
    except Exception:
        NC, NS = 2, 16
    fn = _make_kernel(B, D, NC, NS)
    return fn(i.astype(jnp.int32), j.astype(jnp.int32), k.astype(jnp.int32),
              u_weight, v_weight, b_weight.reshape(-1))

# --- scband reference (transcript-rebuilt; emitter-appended) ---
"""Pipeline reference for scband-vector-bt-bias-8538394984995 (READ-ONLY COPY).

The authoritative reference and input builder live on the scoring server;
editing this copy changes nothing except your own understanding.
"""

import jax, jax.numpy as jnp
import numpy as np

NUM_MODELS = 1000000
D = 64
B = 16384

def setup_inputs(seed: int = 0) -> dict:
    key = jax.random.key(seed)
    k1, k2, k3, k4, k5, k6 = jax.random.split(key, 6)
    i = jax.random.randint(k1, (B,), 0, NUM_MODELS, dtype=jnp.int64) if jax.config.jax_enable_x64 else jax.random.randint(k1, (B,), 0, NUM_MODELS).astype(jnp.int32)
    j = jax.random.randint(k2, (B,), 0, NUM_MODELS).astype(i.dtype)
    k = jax.random.randint(k3, (B,), 0, NUM_MODELS).astype(i.dtype)
    u_weight = jax.random.normal(k4, (NUM_MODELS, D), dtype=jnp.float32) * 0.1
    v_weight = jax.random.normal(k5, (NUM_MODELS, D), dtype=jnp.float32) * 0.1
    b_weight = jax.random.normal(k6, (NUM_MODELS, 1), dtype=jnp.float32) * 0.1
    return {"i": i, "j": j, "k": k, "u_weight": u_weight, "v_weight": v_weight, "b_weight": b_weight}

def reference(i, j, k, u_weight, v_weight, b_weight):
    u_i = jnp.take(u_weight, i, axis=0)
    v_j = jnp.take(v_weight, j, axis=0)
    v_k = jnp.take(v_weight, k, axis=0)
    b_i = jnp.take(b_weight, i, axis=0)
    score_j = jnp.sum(u_i * v_j, axis=-1)
    score_k = jnp.sum(u_i * v_k, axis=-1)
    return jax.nn.sigmoid(score_j - score_k + jnp.squeeze(b_i, axis=-1))

if __name__ == "__main__":
    import jax
    _d = setup_inputs()
    print(jax.jit(kernel)(*tuple(_d.values())))

</pallas_src>

<mosaic_0001>
#map = affine_map<(d0, d1) -> (0)>
#map1 = affine_map<(d0, d1) -> (0, 0)>
module attributes {stable_mosaic.version = 14 : i64} {
  func.func @body(%arg0: i32, %arg1: i32, %arg2: memref<16384xi32, #tpu.memory_space<hbm>>, %arg3: memref<16384xi32, #tpu.memory_space<hbm>>, %arg4: memref<16384xi32, #tpu.memory_space<hbm>>, %arg5: memref<1000000x64xf32, #tpu.memory_space<hbm>>, %arg6: memref<1000000x64xf32, #tpu.memory_space<hbm>>, %arg7: memref<1000000xf32, #tpu.memory_space<hbm>>, %arg8: memref<16384xf32, #tpu.memory_space<hbm>>, %arg9: memref<512xi32, #tpu.memory_space<vmem>>, %arg10: memref<512xi32, #tpu.memory_space<vmem>>, %arg11: memref<512xi32, #tpu.memory_space<vmem>>, %arg12: memref<512x64xf32, #tpu.memory_space<vmem>>, %arg13: memref<512x64xf32, #tpu.memory_space<vmem>>, %arg14: memref<512x64xf32, #tpu.memory_space<vmem>>, %arg15: memref<512xf32, #tpu.memory_space<vmem>>, %arg16: memref<512xf32, #tpu.memory_space<vmem>>, %arg17: memref<!tpu.dma_semaphore, #tpu.memory_space<semaphore_mem>>) attributes {dimension_semantics = [#tpu.dimension_semantics<core_parallel>, #tpu.dimension_semantics<subcore_parallel>], iteration_bounds = array<i64: 2, 16>, scalar_prefetch = 0 : i64, scratch_operands = 9 : i64, tpu.core_type = #tpu.core_type<sc_vector_subcore>, window_params = [{transform_indices = #map}, {transform_indices = #map}, {transform_indices = #map}, {transform_indices = #map1}, {transform_indices = #map1}, {transform_indices = #map}, {transform_indices = #map}]} {
    %mul3A = arith.constant 2 : i32
    %mul3A_0 = arith.muli %arg1, %mul3A : i32
    %add3A = arith.addi %mul3A_0, %arg0 : i32
    %mul3A_1 = arith.constant 512 : i32
    %mul3A_2 = arith.muli %add3A, %mul3A_1 : i32
    "tpu.region"() ({
      %run_scoped3A = tpu.sem_alloc : memref<!tpu.dma_semaphore, #tpu.memory_space<semaphore_mem>>
      %dma_start3A_28 = tpu.memref_slice %arg2[%mul3A_2] : memref<16384xi32, #tpu.memory_space<hbm>> -> memref<512xi32, #tpu.memory_space<hbm>>
      %dma_start3A_29 = tpu.memref_slice %arg2[%mul3A_2] : memref<16384xi32, #tpu.memory_space<hbm>> -> memref<512xi32, #tpu.memory_space<hbm>>
      tpu.enqueue_dma source(%dma_start3A_29 : memref<512xi32, #tpu.memory_space<hbm>>) target(%arg9 : memref<512xi32, #tpu.memory_space<vmem>>) target_semaphore(%run_scoped3A : memref<!tpu.dma_semaphore, #tpu.memory_space<semaphore_mem>>)
      %dma_wait3A_30 = tpu.memref_slice %arg2[%mul3A_2] : memref<16384xi32, #tpu.memory_space<hbm>> -> memref<512xi32, #tpu.memory_space<hbm>>
      %dma_wait3A_31 = tpu.memref_slice %arg2[%mul3A_2] : memref<16384xi32, #tpu.memory_space<hbm>> -> memref<512xi32, #tpu.memory_space<hbm>>
      tpu.wait_dma2 semaphore(%run_scoped3A : memref<!tpu.dma_semaphore, #tpu.memory_space<semaphore_mem>>) src(%dma_wait3A_31 : memref<512xi32, #tpu.memory_space<hbm>>) dst(%arg9 : memref<512xi32, #tpu.memory_space<vmem>>)
      tpu.yield
    }) : () -> ()
    "tpu.region"() ({
      %run_scoped3A = tpu.sem_alloc : memref<!tpu.dma_semaphore, #tpu.memory_space<semaphore_mem>>
      %dma_start3A_28 = tpu.memref_slice %arg3[%mul3A_2] : memref<16384xi32, #tpu.memory_space<hbm>> -> memref<512xi32, #tpu.memory_space<hbm>>
      %dma_start3A_29 = tpu.memref_slice %arg3[%mul3A_2] : memref<16384xi32, #tpu.memory_space<hbm>> -> memref<512xi32, #tpu.memory_space<hbm>>
      tpu.enqueue_dma source(%dma_start3A_29 : memref<512xi32, #tpu.memory_space<hbm>>) target(%arg10 : memref<512xi32, #tpu.memory_space<vmem>>) target_semaphore(%run_scoped3A : memref<!tpu.dma_semaphore, #tpu.memory_space<semaphore_mem>>)
      %dma_wait3A_30 = tpu.memref_slice %arg3[%mul3A_2] : memref<16384xi32, #tpu.memory_space<hbm>> -> memref<512xi32, #tpu.memory_space<hbm>>
      %dma_wait3A_31 = tpu.memref_slice %arg3[%mul3A_2] : memref<16384xi32, #tpu.memory_space<hbm>> -> memref<512xi32, #tpu.memory_space<hbm>>
      tpu.wait_dma2 semaphore(%run_scoped3A : memref<!tpu.dma_semaphore, #tpu.memory_space<semaphore_mem>>) src(%dma_wait3A_31 : memref<512xi32, #tpu.memory_space<hbm>>) dst(%arg10 : memref<512xi32, #tpu.memory_space<vmem>>)
      tpu.yield
    }) : () -> ()
    "tpu.region"() ({
      %run_scoped3A = tpu.sem_alloc : memref<!tpu.dma_semaphore, #tpu.memory_space<semaphore_mem>>
      %dma_start3A_28 = tpu.memref_slice %arg4[%mul3A_2] : memref<16384xi32, #tpu.memory_space<hbm>> -> memref<512xi32, #tpu.memory_space<hbm>>
      %dma_start3A_29 = tpu.memref_slice %arg4[%mul3A_2] : memref<16384xi32, #tpu.memory_space<hbm>> -> memref<512xi32, #tpu.memory_space<hbm>>
      tpu.enqueue_dma source(%dma_start3A_29 : memref<512xi32, #tpu.memory_space<hbm>>) target(%arg11 : memref<512xi32, #tpu.memory_space<vmem>>) target_semaphore(%run_scoped3A : memref<!tpu.dma_semaphore, #tpu.memory_space<semaphore_mem>>)
      %dma_wait3A_30 = tpu.memref_slice %arg4[%mul3A_2] : memref<16384xi32, #tpu.memory_space<hbm>> -> memref<512xi32, #tpu.memory_space<hbm>>
      %dma_wait3A_31 = tpu.memref_slice %arg4[%mul3A_2] : memref<16384xi32, #tpu.memory_space<hbm>> -> memref<512xi32, #tpu.memory_space<hbm>>
      tpu.wait_dma2 semaphore(%run_scoped3A : memref<!tpu.dma_semaphore, #tpu.memory_space<semaphore_mem>>) src(%dma_wait3A_31 : memref<512xi32, #tpu.memory_space<hbm>>) dst(%arg11 : memref<512xi32, #tpu.memory_space<vmem>>)
      tpu.yield
    }) : () -> ()
    %dma_start3A = arith.constant 0 : i32
    %dma_start3A_3 = arith.constant 0 : i32
    %dma_start3A_4 = tpu.memref_slice %arg5[%dma_start3A, %dma_start3A_3] : memref<1000000x64xf32, #tpu.memory_space<hbm>> -> memref<1000000x64xf32, #tpu.memory_space<hbm>>
    tpu.enqueue_indirect_dma source(%dma_start3A_4 : memref<1000000x64xf32, #tpu.memory_space<hbm>>) target(%arg12 : memref<512x64xf32, #tpu.memory_space<vmem>>) offsets(%arg9 : memref<512xi32, #tpu.memory_space<vmem>>) semaphore(%arg17 : memref<!tpu.dma_semaphore, #tpu.memory_space<semaphore_mem>>)
    %dma_start3A_5 = arith.constant 0 : i32
    %dma_start3A_6 = arith.constant 0 : i32
    %dma_start3A_7 = tpu.memref_slice %arg6[%dma_start3A_5, %dma_start3A_6] : memref<1000000x64xf32, #tpu.memory_space<hbm>> -> memref<1000000x64xf32, #tpu.memory_space<hbm>>
    tpu.enqueue_indirect_dma source(%dma_start3A_7 : memref<1000000x64xf32, #tpu.memory_space<hbm>>) target(%arg13 : memref<512x64xf32, #tpu.memory_space<vmem>>) offsets(%arg10 : memref<512xi32, #tpu.memory_space<vmem>>) semaphore(%arg17 : memref<!tpu.dma_semaphore, #tpu.memory_space<semaphore_mem>>)
    %dma_start3A_8 = arith.constant 0 : i32
    %dma_start3A_9 = arith.constant 0 : i32
    %dma_start3A_10 = tpu.memref_slice %arg6[%dma_start3A_8, %dma_start3A_9] : memref<1000000x64xf32, #tpu.memory_space<hbm>> -> memref<1000000x64xf32, #tpu.memory_space<hbm>>
    tpu.enqueue_indirect_dma source(%dma_start3A_10 : memref<1000000x64xf32, #tpu.memory_space<hbm>>) target(%arg14 : memref<512x64xf32, #tpu.memory_space<vmem>>) offsets(%arg11 : memref<512xi32, #tpu.memory_space<vmem>>) semaphore(%arg17 : memref<!tpu.dma_semaphore, #tpu.memory_space<semaphore_mem>>)
    %dma_start3A_11 = arith.constant 0 : i32
    %dma_start3A_12 = tpu.memref_slice %arg7[%dma_start3A_11] : memref<1000000xf32, #tpu.memory_space<hbm>> -> memref<1000000xf32, #tpu.memory_space<hbm>>
    tpu.enqueue_indirect_dma source(%dma_start3A_12 : memref<1000000xf32, #tpu.memory_space<hbm>>) target(%arg15 : memref<512xf32, #tpu.memory_space<vmem>>) offsets(%arg9 : memref<512xi32, #tpu.memory_space<vmem>>) semaphore(%arg17 : memref<!tpu.dma_semaphore, #tpu.memory_space<semaphore_mem>>)
    %dma_wait3A = arith.constant 0 : i32
    %dma_wait3A_13 = arith.constant 0 : i32
    %dma_wait3A_14 = tpu.memref_slice %arg5[%dma_wait3A, %dma_wait3A_13] : memref<1000000x64xf32, #tpu.memory_space<hbm>> -> memref<1000000x64xf32, #tpu.memory_space<hbm>>
    tpu.wait_indirect_dma semaphore(%arg17 : memref<!tpu.dma_semaphore, #tpu.memory_space<semaphore_mem>>) src(%dma_wait3A_14 : memref<1000000x64xf32, #tpu.memory_space<hbm>>) dst(%arg12 : memref<512x64xf32, #tpu.memory_space<vmem>>)
    %dma_wait3A_15 = arith.constant 0 : i32
    %dma_wait3A_16 = arith.constant 0 : i32
    %dma_wait3A_17 = tpu.memref_slice %arg6[%dma_wait3A_15, %dma_wait3A_16] : memref<1000000x64xf32, #tpu.memory_space<hbm>> -> memref<1000000x64xf32, #tpu.memory_space<hbm>>
    tpu.wait_indirect_dma semaphore(%arg17 : memref<!tpu.dma_semaphore, #tpu.memory_space<semaphore_mem>>) src(%dma_wait3A_17 : memref<1000000x64xf32, #tpu.memory_space<hbm>>) dst(%arg13 : memref<512x64xf32, #tpu.memory_space<vmem>>)
    %dma_wait3A_18 = arith.constant 0 : i32
    %dma_wait3A_19 = arith.constant 0 : i32
    %dma_wait3A_20 = tpu.memref_slice %arg6[%dma_wait3A_18, %dma_wait3A_19] : memref<1000000x64xf32, #tpu.memory_space<hbm>> -> memref<1000000x64xf32, #tpu.memory_space<hbm>>
    tpu.wait_indirect_dma semaphore(%arg17 : memref<!tpu.dma_semaphore, #tpu.memory_space<semaphore_mem>>) src(%dma_wait3A_20 : memref<1000000x64xf32, #tpu.memory_space<hbm>>) dst(%arg14 : memref<512x64xf32, #tpu.memory_space<vmem>>)
    %dma_wait3A_21 = arith.constant 0 : i32
    %dma_wait3A_22 = tpu.memref_slice %arg7[%dma_wait3A_21] : memref<1000000xf32, #tpu.memory_space<hbm>> -> memref<1000000xf32, #tpu.memory_space<hbm>>
    tpu.wait_indirect_dma semaphore(%arg17 : memref<!tpu.dma_semaphore, #tpu.memory_space<semaphore_mem>>) src(%dma_wait3A_22 : memref<1000000xf32, #tpu.memory_space<hbm>>) dst(%arg15 : memref<512xf32, #tpu.memory_space<vmem>>)
    %iota3A = tpu.iota {dimensions = array<i32: 0>} : vector<16xi32>
    %scan3A = arith.constant 0 : i32
    %scan3A_23 = arith.constant 0 : i32
    %scan3A_24 = arith.constant 32 : i32
    %scan3A_25 = arith.addi %scan3A_23, %scan3A_24 : i32
    %scan3A_26 = arith.constant 1 : i32
    scf.for %scan3A_28 = %scan3A_23 to %scan3A_25 step %scan3A_26  : i32 {
      %broadcast_in_dim3A = arith.constant 0.000000e+00 : f32
      %broadcast_in_dim3A_29 = vector.broadcast %broadcast_in_dim3A : f32 to vector<16xf32>
      %mul3A_30 = arith.constant 16 : i32
      %mul3A_31 = arith.muli %scan3A_28, %mul3A_30 : i32
      %add3A_32 = arith.constant 0 : i32
      %add3A_33 = arith.addi %mul3A_31, %add3A_32 : i32
      %broadcast_in_dim3A_34 = arith.constant 0.000000e+00 : f32
      %broadcast_in_dim3A_35 = vector.broadcast %broadcast_in_dim3A_34 : f32 to vector<16xf32>
      %get3A = arith.index_cast %add3A_33 : i32 to index
      %get3A_36 = arith.constant 0 : index
      %get3A_37 = tpu.vector_load %arg12[%get3A, %get3A_36] {strides = array<i32>} : memref<512x64xf32, #tpu.memory_space<vmem>>, vector<16xf32>,
      %get3A_38 = arith.index_cast %add3A_33 : i32 to index
      %get3A_39 = arith.constant 0 : index
      %get3A_40 = tpu.vector_load %arg13[%get3A_38, %get3A_39] {strides = array<i32>} : memref<512x64xf32, #tpu.memory_space<vmem>>, vector<16xf32>,
      %get3A_41 = arith.index_cast %add3A_33 : i32 to index
      %get3A_42 = arith.constant 0 : index
      %get3A_43 = tpu.vector_load %arg14[%get3A_41, %get3A_42] {strides = array<i32>} : memref<512x64xf32, #tpu.memory_space<vmem>>, vector<16xf32>,
      %sub3A = arith.subf %get3A_40, %get3A_43 : vector<16xf32>
      %mul3A_44 = arith.mulf %get3A_37, %sub3A : vector<16xf32>
      %add3A_45 = arith.addf %broadcast_in_dim3A_35, %mul3A_44 : vector<16xf32>
      %get3A_46 = arith.index_cast %add3A_33 : i32 to index
      %get3A_47 = arith.constant 16 : index
      %get3A_48 = tpu.vector_load %arg12[%get3A_46, %get3A_47] {strides = array<i32>} : memref<512x64xf32, #tpu.memory_space<vmem>>, vector<16xf32>,
      %get3A_49 = arith.index_cast %add3A_33 : i32 to index
      %get3A_50 = arith.constant 16 : index
      %get3A_51 = tpu.vector_load %arg13[%get3A_49, %get3A_50] {strides = array<i32>} : memref<512x64xf32, #tpu.memory_space<vmem>>, vector<16xf32>,
      %get3A_52 = arith.index_cast %add3A_33 : i32 to index
      %get3A_53 = arith.constant 16 : index
      %get3A_54 = tpu.vector_load %arg14[%get3A_52, %get3A_53] {strides = array<i32>} : memref<512x64xf32, #tpu.memory_space<vmem>>, vector<16xf32>,
      %sub3A_55 = arith.subf %get3A_51, %get3A_54 : vector<16xf32>
      %mul3A_56 = arith.mulf %get3A_48, %sub3A_55 : vector<16xf32>
      %add3A_57 = arith.addf %add3A_45, %mul3A_56 : vector<16xf32>
      %get3A_58 = arith.index_cast %add3A_33 : i32 to index
      %get3A_59 = arith.constant 32 : index
      %get3A_60 = tpu.vector_load %arg12[%get3A_58, %get3A_59] {strides = array<i32>} : memref<512x64xf32, #tpu.memory_space<vmem>>, vector<16xf32>,
      %get3A_61 = arith.index_cast %add3A_33 : i32 to index
      %get3A_62 = arith.constant 32 : index
      %get3A_63 = tpu.vector_load %arg13[%get3A_61, %get3A_62] {strides = array<i32>} : memref<512x64xf32, #tpu.memory_space<vmem>>, vector<16xf32>,
      %get3A_64 = arith.index_cast %add3A_33 : i32 to index
      %get3A_65 = arith.constant 32 : index
      %get3A_66 = tpu.vector_load %arg14[%get3A_64, %get3A_65] {strides = array<i32>} : memref<512x64xf32, #tpu.memory_space<vmem>>, vector<16xf32>,
      %sub3A_67 = arith.subf %get3A_63, %get3A_66 : vector<16xf32>
      %mul3A_68 = arith.mulf %get3A_60, %sub3A_67 : vector<16xf32>
      %add3A_69 = arith.addf %add3A_57, %mul3A_68 : vector<16xf32>
      %get3A_70 = arith.index_cast %add3A_33 : i32 to index
      %get3A_71 = arith.constant 48 : index
      %get3A_72 = tpu.vector_load %arg12[%get3A_70, %get3A_71] {strides = array<i32>} : memref<512x64xf32, #tpu.memory_space<vmem>>, vector<16xf32>,
      %get3A_73 = arith.index_cast %add3A_33 : i32 to index
      %get3A_74 = arith.constant 48 : index
      %get3A_75 = tpu.vector_load %arg13[%get3A_73, %get3A_74] {strides = array<i32>} : memref<512x64xf32, #tpu.memory_space<vmem>>, vector<16xf32>,
      %get3A_76 = arith.index_cast %add3A_33 : i32 to index
      %get3A_77 = arith.constant 48 : index
      %get3A_78 = tpu.vector_load %arg14[%get3A_76, %get3A_77] {strides = array<i32>} : memref<512x64xf32, #tpu.memory_space<vmem>>, vector<16xf32>,
      %sub3A_79 = arith.subf %get3A_75, %get3A_78 : vector<16xf32>
      %mul3A_80 = arith.mulf %get3A_72, %sub3A_79 : vector<16xf32>
      %add3A_81 = arith.addf %add3A_69, %mul3A_80 : vector<16xf32>
      %eq3A = arith.constant 0 : i32
      %eq3A_82 = vector.broadcast %eq3A : i32 to vector<16xi32>
      %eq3A_83 = arith.cmpi eq, %iota3A, %eq3A_82 : vector<16xi32>
      %reduce_sum3A = arith.constant true
      %reduce_sum3A_84 = vector.broadcast %reduce_sum3A : i1 to vector<16xi1>
      %reduce_sum3A_85 = tpu.scan <sum>, %add3A_81 masked %reduce_sum3A_84 : vector<16xf32>, vector<16xi1> -> vector<16xf32>
      %reduce_sum3A_86 = vector.extract %reduce_sum3A_85[15] : f32 from vector<16xf32>
      %broadcast_in_dim3A_87 = vector.broadcast %reduce_sum3A_86 : f32 to vector<16xf32>
      %select_n3A = arith.select %eq3A_83, %broadcast_in_dim3A_87, %broadcast_in_dim3A_29 : vector<16xi1>, vector<16xf32>
      %mul3A_88 = arith.constant 16 : i32
      %mul3A_89 = arith.muli %scan3A_28, %mul3A_88 : i32
      %add3A_90 = arith.constant 1 : i32
      %add3A_91 = arith.addi %mul3A_89, %add3A_90 : i32
      %broadcast_in_dim3A_92 = arith.constant 0.000000e+00 : f32
      %broadcast_in_dim3A_93 = vector.broadcast %broadcast_in_dim3A_92 : f32 to vector<16xf32>
      %get3A_94 = arith.index_cast %add3A_91 : i32 to index
      %get3A_95 = arith.constant 0 : index
      %get3A_96 = tpu.vector_load %arg12[%get3A_94, %get3A_95] {strides = array<i32>} : memref<512x64xf32, #tpu.memory_space<vmem>>, vector<16xf32>,
      %get3A_97 = arith.index_cast %add3A_91 : i32 to index
      %get3A_98 = arith.constant 0 : index
      %get3A_99 = tpu.vector_load %arg13[%get3A_97, %get3A_98] {strides = array<i32>} : memref<512x64xf32, #tpu.memory_space<vmem>>, vector<16xf32>,
      %get3A_100 = arith.index_cast %add3A_91 : i32 to index
      %get3A_101 = arith.constant 0 : index
      %get3A_102 = tpu.vector_load %arg14[%get3A_100, %get3A_101] {strides = array<i32>} : memref<512x64xf32, #tpu.memory_space<vmem>>, vector<16xf32>,
      %sub3A_103 = arith.subf %get3A_99, %get3A_102 : vector<16xf32>
      %mul3A_104 = arith.mulf %get3A_96, %sub3A_103 : vector<16xf32>
      %add3A_105 = arith.addf %broadcast_in_dim3A_93, %mul3A_104 : vector<16xf32>
      %get3A_106 = arith.index_cast %add3A_91 : i32 to index
      %get3A_107 = arith.constant 16 : index
      %get3A_108 = tpu.vector_load %arg12[%get3A_106, %get3A_107] {strides = array<i32>} : memref<512x64xf32, #tpu.memory_space<vmem>>, vector<16xf32>,
      %get3A_109 = arith.index_cast %add3A_91 : i32 to index
      %get3A_110 = arith.constant 16 : index
      %get3A_111 = tpu.vector_load %arg13[%get3A_109, %get3A_110] {strides = array<i32>} : memref<512x64xf32, #tpu.memory_space<vmem>>, vector<16xf32>,
      %get3A_112 = arith.index_cast %add3A_91 : i32 to index
      %get3A_113 = arith.constant 16 : index
      %get3A_114 = tpu.vector_load %arg14[%get3A_112, %get3A_113] {strides = array<i32>} : memref<512x64xf32, #tpu.memory_space<vmem>>, vector<16xf32>,
      %sub3A_115 = arith.subf %get3A_111, %get3A_114 : vector<16xf32>
      %mul3A_116 = arith.mulf %get3A_108, %sub3A_115 : vector<16xf32>
      %add3A_117 = arith.addf %add3A_105, %mul3A_116 : vector<16xf32>
      %get3A_118 = arith.index_cast %add3A_91 : i32 to index
      %get3A_119 = arith.constant 32 : index
      %get3A_120 = tpu.vector_load %arg12[%get3A_118, %get3A_119] {strides = array<i32>} : memref<512x64xf32, #tpu.memory_space<vmem>>, vector<16xf32>,
      %get3A_121 = arith.index_cast %add3A_91 : i32 to index
      %get3A_122 = arith.constant 32 : index
      %get3A_123 = tpu.vector_load %arg13[%get3A_121, %get3A_122] {strides = array<i32>} : memref<512x64xf32, #tpu.memory_space<vmem>>, vector<16xf32>,
      %get3A_124 = arith.index_cast %add3A_91 : i32 to index
      %get3A_125 = arith.constant 32 : index
      %get3A_126 = tpu.vector_load %arg14[%get3A_124, %get3A_125] {strides = array<i32>} : memref<512x64xf32, #tpu.memory_space<vmem>>, vector<16xf32>,
      %sub3A_127 = arith.subf %get3A_123, %get3A_126 : vector<16xf32>
      %mul3A_128 = arith.mulf %get3A_120, %sub3A_127 : vector<16xf32>
      %add3A_129 = arith.addf %add3A_117, %mul3A_128 : vector<16xf32>
      %get3A_130 = arith.index_cast %add3A_91 : i32 to index
      %get3A_131 = arith.constant 48 : index
      %get3A_132 = tpu.vector_load %arg12[%get3A_130, %get3A_131] {strides = array<i32>} : memref<512x64xf32, #tpu.memory_space<vmem>>, vector<16xf32>,
      %get3A_133 = arith.index_cast %add3A_91 : i32 to index
      %get3A_134 = arith.constant 48 : index
      %get3A_135 = tpu.vector_load %arg13[%get3A_133, %get3A_134] {strides = array<i32>} : memref<512x64xf32, #tpu.memory_space<vmem>>, vector<16xf32>,
      %get3A_136 = arith.index_cast %add3A_91 : i32 to index
      %get3A_137 = arith.constant 48 : index
      %get3A_138 = tpu.vector_load %arg14[%get3A_136, %get3A_137] {strides = array<i32>} : memref<512x64xf32, #tpu.memory_space<vmem>>, vector<16xf32>,
      %sub3A_139 = arith.subf %get3A_135, %get3A_138 : vector<16xf32>
      %mul3A_140 = arith.mulf %get3A_132, %sub3A_139 : vector<16xf32>
      %add3A_141 = arith.addf %add3A_129, %mul3A_140 : vector<16xf32>
      %eq3A_142 = arith.constant 1 : i32
      %eq3A_143 = vector.broadcast %eq3A_142 : i32 to vector<16xi32>
      %eq3A_144 = arith.cmpi eq, %iota3A, %eq3A_143 : vector<16xi32>
      %reduce_sum3A_145 = arith.constant true
      %reduce_sum3A_146 = vector.broadcast %reduce_sum3A_145 : i1 to vector<16xi1>
      %reduce_sum3A_147 = tpu.scan <sum>, %add3A_141 masked %reduce_sum3A_146 : vector<16xf32>, vector<16xi1> -> vector<16xf32>
      %reduce_sum3A_148 = vector.extract %reduce_sum3A_147[15] : f32 from vector<16xf32>
      %broadcast_in_dim3A_149 = vector.broadcast %reduce_sum3A_148 : f32 to vector<16xf32>
      %select_n3A_150 = arith.select %eq3A_144, %broadcast_in_dim3A_149, %select_n3A : vector<16xi1>, vector<16xf32>
      %mul3A_151 = arith.constant 16 : i32
      %mul3A_152 = arith.muli %scan3A_28, %mul3A_151 : i32
      %add3A_153 = arith.constant 2 : i32
      %add3A_154 = arith.addi %mul3A_152, %add3A_153 : i32
      %broadcast_in_dim3A_155 = arith.constant 0.000000e+00 : f32
      %broadcast_in_dim3A_156 = vector.broadcast %broadcast_in_dim3A_155 : f32 to vector<16xf32>
      %get3A_157 = arith.index_cast %add3A_154 : i32 to index
      %get3A_158 = arith.constant 0 : index
      %get3A_159 = tpu.vector_load %arg12[%get3A_157, %get3A_158] {strides = array<i32>} : memref<512x64xf32, #tpu.memory_space<vmem>>, vector<16xf32>,
      %get3A_160 = arith.index_cast %add3A_154 : i32 to index
      %get3A_161 = arith.constant 0 : index
      %get3A_162 = tpu.vector_load %arg13[%get3A_160, %get3A_161] {strides = array<i32>} : memref<512x64xf32, #tpu.memory_space<vmem>>, vector<16xf32>,
      %get3A_163 = arith.index_cast %add3A_154 : i32 to index
      %get3A_164 = arith.constant 0 : index
      %get3A_165 = tpu.vector_load %arg14[%get3A_163, %get3A_164] {strides = array<i32>} : memref<512x64xf32, #tpu.memory_space<vmem>>, vector<16xf32>,
      %sub3A_166 = arith.subf %get3A_162, %get3A_165 : vector<16xf32>
      %mul3A_167 = arith.mulf %get3A_159, %sub3A_166 : vector<16xf32>
      %add3A_168 = arith.addf %broadcast_in_dim3A_156, %mul3A_167 : vector<16xf32>
      %get3A_169 = arith.index_cast %add3A_154 : i32 to index
      %get3A_170 = arith.constant 16 : index
      %get3A_171 = tpu.vector_load %arg12[%get3A_169, %get3A_170] {strides = array<i32>} : memref<512x64xf32, #tpu.memory_space<vmem>>, vector<16xf32>,
      %get3A_172 = arith.index_cast %add3A_154 : i32 to index
      %get3A_173 = arith.constant 16 : index
      %get3A_174 = tpu.vector_load %arg13[%get3A_172, %get3A_173] {strides = array<i32>} : memref<512x64xf32, #tpu.memory_space<vmem>>, vector<16xf32>,
      %get3A_175 = arith.index_cast %add3A_154 : i32 to index
      %get3A_176 = arith.constant 16 : index
      %get3A_177 = tpu.vector_load %arg14[%get3A_175, %get3A_176] {strides = array<i32>} : memref<512x64xf32, #tpu.memory_space<vmem>>, vector<16xf32>,
      %sub3A_178 = arith.subf %get3A_174, %get3A_177 : vector<16xf32>
      %mul3A_179 = arith.mulf %get3A_171, %sub3A_178 : vector<16xf32>
      %add3A_180 = arith.addf %add3A_168, %mul3A_179 : vector<16xf32>
      %get3A_181 = arith.index_cast %add3A_154 : i32 to index
      %get3A_182 = arith.constant 32 : index
      %get3A_183 = tpu.vector_load %arg12[%get3A_181, %get3A_182] {strides = array<i32>} : memref<512x64xf32, #tpu.memory_space<vmem>>, vector<16xf32>,
      %get3A_184 = arith.index_cast %add3A_154 : i32 to index
      %get3A_185 = arith.constant 32 : index
      %get3A_186 = tpu.vector_load %arg13[%get3A_184, %get3A_185] {strides = array<i32>} : memref<512x64xf32, #tpu.memory_space<vmem>>, vector<16xf32>,
      %get3A_187 = arith.index_cast %add3A_154 : i32 to index
      %get3A_188 = arith.constant 32 : index
      %get3A_189 = tpu.vector_load %arg14[%get3A_187, %get3A_188] {strides = array<i32>} : memref<512x64xf32, #tpu.memory_space<vmem>>, vector<16xf32>,
      %sub3A_190 = arith.subf %get3A_186, %get3A_189 : vector<16xf32>
      %mul3A_191 = arith.mulf %get3A_183, %sub3A_190 : vector<16xf32>
      %add3A_192 = arith.addf %add3A_180, %mul3A_191 : vector<16xf32>
      %get3A_193 = arith.index_cast %add3A_154 : i32 to index
      %get3A_194 = arith.constant 48 : index
      %get3A_195 = tpu.vector_load %arg12[%get3A_193, %get3A_194] {strides = array<i32>} : memref<512x64xf32, #tpu.memory_space<vmem>>, vector<16xf32>,
      %get3A_196 = arith.index_cast %add3A_154 : i32 to index
      %get3A_197 = arith.constant 48 : index
      %get3A_198 = tpu.vector_load %arg13[%get3A_196, %get3A_197] {strides = array<i32>} : memref<512x64xf32, #tpu.memory_space<vmem>>, vector<16xf32>,
      %get3A_199 = arith.index_cast %add3A_154 : i32 to index
      %get3A_200 = arith.constant 48 : index
      %get3A_201 = tpu.vector_load %arg14[%get3A_199, %get3A_200] {strides = array<i32>} : memref<512x64xf32, #tpu.memory_space<vmem>>, vector<16xf32>,
      %sub3A_202 = arith.subf %get3A_198, %get3A_201 : vector<16xf32>
      %mul3A_203 = arith.mulf %get3A_195, %sub3A_202 : vector<16xf32>
      %add3A_204 = arith.addf %add3A_192, %mul3A_203 : vector<16xf32>
      %eq3A_205 = arith.constant 2 : i32
      %eq3A_206 = vector.broadcast %eq3A_205 : i32 to vector<16xi32>
      %eq3A_207 = arith.cmpi eq, %iota3A, %eq3A_206 : vector<16xi32>
      %reduce_sum3A_208 = arith.constant true
      %reduce_sum3A_209 = vector.broadcast %reduce_sum3A_208 : i1 to vector<16xi1>
      %reduce_sum3A_210 = tpu.scan <sum>, %add3A_204 masked %reduce_sum3A_209 : vector<16xf32>, vector<16xi1> -> vector<16xf32>
      %reduce_sum3A_211 = vector.extract %reduce_sum3A_210[15] : f32 from vector<16xf32>
      %broadcast_in_dim3A_212 = vector.broadcast %reduce_sum3A_211 : f32 to vector<16xf32>
      %select_n3A_213 = arith.select %eq3A_207, %broadcast_in_dim3A_212, %select_n3A_150 : vector<16xi1>, vector<16xf32>
      %mul3A_214 = arith.constant 16 : i32
      %mul3A_215 = arith.muli %scan3A_28, %mul3A_214 : i32
      %add3A_216 = arith.constant 3 : i32
      %add3A_217 = arith.addi %mul3A_215, %add3A_216 : i32
      %broadcast_in_dim3A_218 = arith.constant 0.000000e+00 : f32
      %broadcast_in_dim3A_219 = vector.broadcast %broadcast_in_dim3A_218 : f32 to vector<16xf32>
      %get3A_220 = arith.index_cast %add3A_217 : i32 to index
      %get3A_221 = arith.constant 0 : index
      %get3A_222 = tpu.vector_load %arg12[%get3A_220, %get3A_221] {strides = array<i32>} : memref<512x64xf32, #tpu.memory_space<vmem>>, vector<16xf32>,
      %get3A_223 = arith.index_cast %add3A_217 : i32 to index
      %get3A_224 = arith.constant 0 : index
      %get3A_225 = tpu.vector_load %arg13[%get3A_223, %get3A_224] {strides = array<i32>} : memref<512x64xf32, #tpu.memory_space<vmem>>, vector<16xf32>,
      %get3A_226 = arith.index_cast %add3A_217 : i32 to index
      %get3A_227 = arith.constant 0 : index
      %get3A_228 = tpu.vector_load %arg14[%get3A_226, %get3A_227] {strides = array<i32>} : memref<512x64xf32, #tpu.memory_space<vmem>>, vector<16xf32>,
      %sub3A_229 = arith.subf %get3A_225, %get3A_228 : vector<16xf32>
      %mul3A_230 = arith.mulf %get3A_222, %sub3A_229 : vector<16xf32>
      %add3A_231 = arith.addf %broadcast_in_dim3A_219, %mul3A_230 : vector<16xf32>
      %get3A_232 = arith.index_cast %add3A_217 : i32 to index
      %get3A_233 = arith.constant 16 : index
      %get3A_234 = tpu.vector_load %arg12[%get3A_232, %get3A_233] {strides = array<i32>} : memref<512x64xf32, #tpu.memory_space<vmem>>, vector<16xf32>,
      %get3A_235 = arith.index_cast %add3A_217 : i32 to index
      %get3A_236 = arith.constant 16 : index
      %get3A_237 = tpu.vector_load %arg13[%get3A_235, %get3A_236] {strides = array<i32>} : memref<512x64xf32, #tpu.memory_space<vmem>>, vector<16xf32>,
      %get3A_238 = arith.index_cast %add3A_217 : i32 to index
      %get3A_239 = arith.constant 16 : index
      %get3A_240 = tpu.vector_load %arg14[%get3A_238, %get3A_239] {strides = array<i32>} : memref<512x64xf32, #tpu.memory_space<vmem>>, vector<16xf32>,
      %sub3A_241 = arith.subf %get3A_237, %get3A_240 : vector<16xf32>
      %mul3A_242 = arith.mulf %get3A_234, %sub3A_241 : vector<16xf32>
      %add3A_243 = arith.addf %add3A_231, %mul3A_242 : vector<16xf32>
      %get3A_244 = arith.index_cast %add3A_217 : i32 to index
      %get3A_245 = arith.constant 32 : index
      %get3A_246 = tpu.vector_load %arg12[%get3A_244, %get3A_245] {strides = array<i32>} : memref<512x64xf32, #tpu.memory_space<vmem>>, vector<16xf32>,
      %get3A_247 = arith.index_cast %add3A_217 : i32 to index
      %get3A_248 = arith.constant 32 : index
      %get3A_249 = tpu.vector_load %arg13[%get3A_247, %get3A_248] {strides = array<i32>} : memref<512x64xf32, #tpu.memory_space<vmem>>, vector<16xf32>,
      %get3A_250 = arith.index_cast %add3A_217 : i32 to index
      %get3A_251 = arith.constant 32 : index
      %get3A_252 = tpu.vector_load %arg14[%get3A_250, %get3A_251] {strides = array<i32>} : memref<512x64xf32, #tpu.memory_space<vmem>>, vector<16xf32>,
      %sub3A_253 = arith.subf %get3A_249, %get3A_252 : vector<16xf32>
      %mul3A_254 = arith.mulf %get3A_246, %sub3A_253 : vector<16xf32>
      %add3A_255 = arith.addf %add3A_243, %mul3A_254 : vector<16xf32>
      %get3A_256 = arith.index_cast %add3A_217 : i32 to index
      %get3A_257 = arith.constant 48 : index
      %get3A_258 = tpu.vector_load %arg12[%get3A_256, %get3A_257] {strides = array<i32>} : memref<512x64xf32, #tpu.memory_space<vmem>>, vector<16xf32>,
      %get3A_259 = arith.index_cast %add3A_217 : i32 to index
      %get3A_260 = arith.constant 48 : index
      %get3A_261 = tpu.vector_load %arg13[%get3A_259, %get3A_260] {strides = array<i32>} : memref<512x64xf32, #tpu.memory_space<vmem>>, vector<16xf32>,
      %get3A_262 = arith.index_cast %add3A_217 : i32 to index
      %get3A_263 = arith.constant 48 : index
      %get3A_264 = tpu.vector_load %arg14[%get3A_262, %get3A_263] {strides = array<i32>} : memref<512x64xf32, #tpu.memory_space<vmem>>, vector<16xf32>,
      %sub3A_265 = arith.subf %get3A_261, %get3A_264 : vector<16xf32>
      %mul3A_266 = arith.mulf %get3A_258, %sub3A_265 : vector<16xf32>
      %add3A_267 = arith.addf %add3A_255, %mul3A_266 : vector<16xf32>
      %eq3A_268 = arith.constant 3 : i32
      %eq3A_269 = vector.broadcast %eq3A_268 : i32 to vector<16xi32>
      %eq3A_270 = arith.cmpi eq, %iota3A, %eq3A_269 : vector<16xi32>
      %reduce_sum3A_271 = arith.constant true
      %reduce_sum3A_272 = vector.broadcast %reduce_sum3A_271 : i1 to vector<16xi1>
      %reduce_sum3A_273 = tpu.scan <sum>, %add3A_267 masked %reduce_sum3A_272 : vector<16xf32>, vector<16xi1> -> vector<16xf32>
      %reduce_sum3A_274 = vector.extract %reduce_sum3A_273[15] : f32 from vector<16xf32>
      %broadcast_in_dim3A_275 = vector.broadcast %reduce_sum3A_274 : f32 to vector<16xf32>
      %select_n3A_276 = arith.select %eq3A_270, %broadcast_in_dim3A_275, %select_n3A_213 : vector<16xi1>, vector<16xf32>
      %mul3A_277 = arith.constant 16 : i32
      %mul3A_278 = arith.muli %scan3A_28, %mul3A_277 : i32
      %add3A_279 = arith.constant 4 : i32
      %add3A_280 = arith.addi %mul3A_278, %add3A_279 : i32
      %broadcast_in_dim3A_281 = arith.constant 0.000000e+00 : f32
      %broadcast_in_dim3A_282 = vector.broadcast %broadcast_in_dim3A_281 : f32 to vector<16xf32>
      %get3A_283 = arith.index_cast %add3A_280 : i32 to index
      %get3A_284 = arith.constant 0 : index
      %get3A_285 = tpu.vector_load %arg12[%get3A_283, %get3A_284] {strides = array<i32>} : memref<512x64xf32, #tpu.memory_space<vmem>>, vector<16xf32>,
      %get3A_286 = arith.index_cast %add3A_280 : i32 to index
      %get3A_287 = arith.constant 0 : index
      %get3A_288 = tpu.vector_load %arg13[%get3A_286, %get3A_287] {strides = array<i32>} : memref<512x64xf32, #tpu.memory_space<vmem>>, vector<16xf32>,
      %get3A_289 = arith.index_cast %add3A_280 : i32 to index
      %get3A_290 = arith.constant 0 : index
      %get3A_291 = tpu.vector_load %arg14[%get3A_289, %get3A_290] {strides = array<i32>} : memref<512x64xf32, #tpu.memory_space<vmem>>, vector<16xf32>,
      %sub3A_292 = arith.subf %get3A_288, %get3A_291 : vector<16xf32>
      %mul3A_293 = arith.mulf %get3A_285, %sub3A_292 : vector<16xf32>
      %add3A_294 = arith.addf %broadcast_in_dim3A_282, %mul3A_293 : vector<16xf32>
      %get3A_295 = arith.index_cast %add3A_280 : i32 to index
      %get3A_296 = arith.constant 16 : index
      %get3A_297 = tpu.vector_load %arg12[%get3A_295, %get3A_296] {strides = array<i32>} : memref<512x64xf32, #tpu.memory_space<vmem>>, vector<16xf32>,
      %get3A_298 = arith.index_cast %add3A_280 : i32 to index
      %get3A_299 = arith.constant 16 : index
      %get3A_300 = tpu.vector_load %arg13[%get3A_298, %get3A_299] {strides = array<i32>} : memref<512x64xf32, #tpu.memory_space<vmem>>, vector<16xf32>,
      %get3A_301 = arith.index_cast %add3A_280 : i32 to index
      %get3A_302 = arith.constant 16 : index
      %get3A_303 = tpu.vector_load %arg14[%get3A_301, %get3A_302] {strides = array<i32>} : memref<512x64xf32, #tpu.memory_space<vmem>>, vector<16xf32>,
      %sub3A_304 = arith.subf %get3A_300, %get3A_303 : vector<16xf32>
      %mul3A_305 = arith.mulf %get3A_297, %sub3A_304 : vector<16xf32>
      %add3A_306 = arith.addf %add3A_294, %mul3A_305 : vector<16xf32>
      %get3A_307 = arith.index_cast %add3A_280 : i32 to index
      %get3A_308 = arith.constant 32 : index
      %get3A_309 = tpu.vector_load %arg12[%get3A_307, %get3A_308] {strides = array<i32>} : memref<512x64xf32, #tpu.memory_space<vmem>>, vector<16xf32>,
      %get3A_310 = arith.index_cast %add3A_280 : i32 to index
      %get3A_311 = arith.constant 32 : index
      %get3A_312 = tpu.vector_load %arg13[%get3A_310, %get3A_311] {strides = array<i32>} : memref<512x64xf32, #tpu.memory_space<vmem>>, vector<16xf32>,
      %get3A_313 = arith.index_cast %add3A_280 : i32 to index
      %get3A_314 = arith.constant 32 : index
      %get3A_315 = tpu.vector_load %arg14[%get3A_313, %get3A_314] {strides = array<i32>} : memref<512x64xf32, #tpu.memory_space<vmem>>, vector<16xf32>,
      %sub3A_316 = arith.subf %get3A_312, %get3A_315 : vector<16xf32>
      %mul3A_317 = arith.mulf %get3A_309, %sub3A_316 : vector<16xf32>
      %add3A_318 = arith.addf %add3A_306, %mul3A_317 : vector<16xf32>
      %get3A_319 = arith.index_cast %add3A_280 : i32 to index
      %get3A_320 = arith.constant 48 : index
      %get3A_321 = tpu.vector_load %arg12[%get3A_319, %get3A_320] {strides = array<i32>} : memref<512x64xf32, #tpu.memory_space<vmem>>, vector<16xf32>,
      %get3A_322 = arith.index_cast %add3A_280 : i32 to index
      %get3A_323 = arith.constant 48 : index
      %get3A_324 = tpu.vector_load %arg13[%get3A_322, %get3A_323] {strides = array<i32>} : memref<512x64xf32, #tpu.memory_space<vmem>>, vector<16xf32>,
      %get3A_325 = arith.index_cast %add3A_280 : i32 to index
      %get3A_326 = arith.constant 48 : index
      %get3A_327 = tpu.vector_load %arg14[%get3A_325, %get3A_326] {strides = array<i32>} : memref<512x64xf32, #tpu.memory_space<vmem>>, vector<16xf32>,
      %sub3A_328 = arith.subf %get3A_324, %get3A_327 : vector<16xf32>
      %mul3A_329 = arith.mulf %get3A_321, %sub3A_328 : vector<16xf32>
      %add3A_330 = arith.addf %add3A_318, %mul3A_329 : vector<16xf32>
      %eq3A_331 = arith.constant 4 : i32
      %eq3A_332 = vector.broadcast %eq3A_331 : i32 to vector<16xi32>
      %eq3A_333 = arith.cmpi eq, %iota3A, %eq3A_332 : vector<16xi32>
      %reduce_sum3A_334 = arith.constant true
      %reduce_sum3A_335 = vector.broadcast %reduce_sum3A_334 : i1 to vector<16xi1>
      %reduce_sum3A_336 = tpu.scan <sum>, %add3A_330 masked %reduce_sum3A_335 : vector<16xf32>, vector<16xi1> -> vector<16xf32>
      %reduce_sum3A_337 = vector.extract %reduce_sum3A_336[15] : f32 from vector<16xf32>
      %broadcast_in_dim3A_338 = vector.broadcast %reduce_sum3A_337 : f32 to vector<16xf32>
      %select_n3A_339 = arith.select %eq3A_333, %broadcast_in_dim3A_338, %select_n3A_276 : vector<16xi1>, vector<16xf32>
      %mul3A_340 = arith.constant 16 : i32
      %mul3A_341 = arith.muli %scan3A_28, %mul3A_340 : i32
      %add3A_342 = arith.constant 5 : i32
      %add3A_343 = arith.addi %mul3A_341, %add3A_342 : i32
      %broadcast_in_dim3A_344 = arith.constant 0.000000e+00 : f32
      %broadcast_in_dim3A_345 = vector.broadcast %broadcast_in_dim3A_344 : f32 to vector<16xf32>
      %get3A_346 = arith.index_cast %add3A_343 : i32 to index
      %get3A_347 = arith.constant 0 : index
      %get3A_348 = tpu.vector_load %arg12[%get3A_346, %get3A_347] {strides = array<i32>} : memref<512x64xf32, #tpu.memory_space<vmem>>, vector<16xf32>,
      %get3A_349 = arith.index_cast %add3A_343 : i32 to index
      %get3A_350 = arith.constant 0 : index
      %get3A_351 = tpu.vector_load %arg13[%get3A_349, %get3A_350] {strides = array<i32>} : memref<512x64xf32, #tpu.memory_space<vmem>>, vector<16xf32>,
      %get3A_352 = arith.index_cast %add3A_343 : i32 to index
      %get3A_353 = arith.constant 0 : index
      %get3A_354 = tpu.vector_load %arg14[%get3A_352, %get3A_353] {strides = array<i32>} : memref<512x64xf32, #tpu.memory_space<vmem>>, vector<16xf32>,
      %sub3A_355 = arith.subf %get3A_351, %get3A_354 : vector<16xf32>
      %mul3A_356 = arith.mulf %get3A_348, %sub3A_355 : vector<16xf32>
      %add3A_357 = arith.addf %broadcast_in_dim3A_345, %mul3A_356 : vector<16xf32>
      %get3A_358 = arith.index_cast %add3A_343 : i32 to index
      %get3A_359 = arith.constant 16 : index
      %get3A_360 = tpu.vector_load %arg12[%get3A_358, %get3A_359] {strides = array<i32>} : memref<512x64xf32, #tpu.memory_space<vmem>>, vector<16xf32>,
      %get3A_361 = arith.index_cast %add3A_343 : i32 to index
      %get3A_362 = arith.constant 16 : index
      %get3A_363 = tpu.vector_load %arg13[%get3A_361, %get3A_362] {strides = array<i32>} : memref<512x64xf32, #tpu.memory_space<vmem>>, vector<16xf32>,
      %get3A_364 = arith.index_cast %add3A_343 : i32 to index
      %get3A_365 = arith.constant 16 : index
      %get3A_366 = tpu.vector_load %arg14[%get3A_364, %get3A_365] {strides = array<i32>} : memref<512x64xf32, #tpu.memory_space<vmem>>, vector<16xf32>,
      %sub3A_367 = arith.subf %get3A_363, %get3A_366 : vector<16xf32>
      %mul3A_368 = arith.mulf %get3A_360, %sub3A_367 : vector<16xf32>
      %add3A_369 = arith.addf %add3A_357, %mul3A_368 : vector<16xf32>
      %get3A_370 = arith.index_cast %add3A_343 : i32 to index
      %get3A_371 = arith.constant 32 : index
      %get3A_372 = tpu.vector_load %arg12[%get3A_370, %get3A_371] {strides = array<i32>} : memref<512x64xf32, #tpu.memory_space<vmem>>, vector<16xf32>,
      %get3A_373 = arith.index_cast %add3A_343 : i32 to index
      %get3A_374 = arith.constant 32 : index
      %get3A_375 = tpu.vector_load %arg13[%get3A_373, %get3A_374] {strides = array<i32>} : memref<512x64xf32, #tpu.memory_space<vmem>>, vector<16xf32>,
      %get3A_376 = arith.index_cast %add3A_343 : i32 to index
      %get3A_377 = arith.constant 32 : index
      %get3A_378 = tpu.vector_load %arg14[%get3A_376, %get3A_377] {strides = array<i32>} : memref<512x64xf32, #tpu.memory_space<vmem>>, vector<16xf32>,
      %sub3A_379 = arith.subf %get3A_375, %get3A_378 : vector<16xf32>
      %mul3A_380 = arith.mulf %get3A_372, %sub3A_379 : vector<16xf32>
      %add3A_381 = arith.addf %add3A_369, %mul3A_380 : vector<16xf32>
      %get3A_382 = arith.index_cast %add3A_343 : i32 to index
      %get3A_383 = arith.constant 48 : index
      %get3A_384 = tpu.vector_load %arg12[%get3A_382, %get3A_383] {strides = array<i32>} : memref<512x64xf32, #tpu.memory_space<vmem>>, vector<16xf32>,
      %get3A_385 = arith.index_cast %add3A_343 : i32 to index
      %get3A_386 = arith.constant 48 : index
      %get3A_387 = tpu.vector_load %arg13[%get3A_385, %get3A_386] {strides = array<i32>} : memref<512x64xf32, #tpu.memory_space<vmem>>, vector<16xf32>,
      %get3A_388 = arith.index_cast %add3A_343 : i32 to index
      %get3A_389 = arith.constant 48 : index
      %get3A_390 = tpu.vector_load %arg14[%get3A_388, %get3A_389] {strides = array<i32>} : memref<512x64xf32, #tpu.memory_space<vmem>>, vector<16xf32>,
      %sub3A_391 = arith.subf %get3A_387, %get3A_390 : vector<16xf32>
      %mul3A_392 = arith.mulf %get3A_384, %sub3A_391 : vector<16xf32>
      %add3A_393 = arith.addf %add3A_381, %mul3A_392 : vector<16xf32>
      %eq3A_394 = arith.constant 5 : i32
      %eq3A_395 = vector.broadcast %eq3A_394 : i32 to vector<16xi32>
      %eq3A_396 = arith.cmpi eq, %iota3A, %eq3A_395 : vector<16xi32>
      %reduce_sum3A_397 = arith.constant true
      %reduce_sum3A_398 = vector.broadcast %reduce_sum3A_397 : i1 to vector<16xi1>
      %reduce_sum3A_399 = tpu.scan <sum>, %add3A_393 masked %reduce_sum3A_398 : vector<16xf32>, vector<16xi1> -> vector<16xf32>
      %reduce_sum3A_400 = vector.extract %reduce_sum3A_399[15] : f32 from vector<16xf32>
      %broadcast_in_dim3A_401 = vector.broadcast %reduce_sum3A_400 : f32 to vector<16xf32>
      %select_n3A_402 = arith.select %eq3A_396, %broadcast_in_dim3A_401, %select_n3A_339 : vector<16xi1>, vector<16xf32>
      %mul3A_403 = arith.constant 16 : i32
      %mul3A_404 = arith.muli %scan3A_28, %mul3A_403 : i32
      %add3A_405 = arith.constant 6 : i32
      %add3A_406 = arith.addi %mul3A_404, %add3A_405 : i32
      %broadcast_in_dim3A_407 = arith.constant 0.000000e+00 : f32
      %broadcast_in_dim3A_408 = vector.broadcast %broadcast_in_dim3A_407 : f32 to vector<16xf32>
      %get3A_409 = arith.index_cast %add3A_406 : i32 to index
      %get3A_410 = arith.constant 0 : index
      %get3A_411 = tpu.vector_load %arg12[%get3A_409, %get3A_410] {strides = array<i32>} : memref<512x64xf32, #tpu.memory_space<vmem>>, vector<16xf32>,
      %get3A_412 = arith.index_cast %add3A_406 : i32 to index
      %get3A_413 = arith.constant 0 : index
      %get3A_414 = tpu.vector_load %arg13[%get3A_412, %get3A_413] {strides = array<i32>} : memref<512x64xf32, #tpu.memory_space<vmem>>, vector<16xf32>,
      %get3A_415 = arith.index_cast %add3A_406 : i32 to index
      %get3A_416 = arith.constant 0 : index
      %get3A_417 = tpu.vector_load %arg14[%get3A_415, %get3A_416] {strides = array<i32>} : memref<512x64xf32, #tpu.memory_space<vmem>>, vector<16xf32>,
      %sub3A_418 = arith.subf %get3A_414, %get3A_417 : vector<16xf32>
      %mul3A_419 = arith.mulf %get3A_411, %sub3A_418 : vector<16xf32>
      %add3A_420 = arith.addf %broadcast_in_dim3A_408, %mul3A_419 : vector<16xf32>
      %get3A_421 = arith.index_cast %add3A_406 : i32 to index
      %get3A_422 = arith.constant 16 : index
      %get3A_423 = tpu.vector_load %arg12[%get3A_421, %get3A_422] {strides = array<i32>} : memref<512x64xf32, #tpu.memory_space<vmem>>, vector<16xf32>,
      %get3A_424 = arith.index_cast %add3A_406 : i32 to index
      %get3A_425 = arith.constant 16 : index
      %get3A_426 = tpu.vector_load %arg13[%get3A_424, %get3A_425] {strides = array<i32>} : memref<512x64xf32, #tpu.memory_space<vmem>>, vector<16xf32>,
      %get3A_427 = arith.index_cast %add3A_406 : i32 to index
      %get3A_428 = arith.constant 16 : index
      %get3A_429 = tpu.vector_load %arg14[%get3A_427, %get3A_428] {strides = array<i32>} : memref<512x64xf32, #tpu.memory_space<vmem>>, vector<16xf32>,
      %sub3A_430 = arith.subf %get3A_426, %get3A_429 : vector<16xf32>
      %mul3A_431 = arith.mulf %get3A_423, %sub3A_430 : vector<16xf32>
      %add3A_432 = arith.addf %add3A_420, %mul3A_431 : vector<16xf32>
      %get3A_433 = arith.index_cast %add3A_406 : i32 to index
      %get3A_434 = arith.constant 32 : index
      %get3A_435 = tpu.vector_load %arg12[%get3A_433, %get3A_434] {strides = array<i32>} : memref<512x64xf32, #tpu.memory_space<vmem>>, vector<16xf32>,
      %get3A_436 = arith.index_cast %add3A_406 : i32 to index
      %get3A_437 = arith.constant 32 : index
      %get3A_438 = tpu.vector_load %arg13[%get3A_436, %get3A_437] {strides = array<i32>} : memref<512x64xf32, #tpu.memory_space<vmem>>, vector<16xf32>,
      %get3A_439 = arith.index_cast %add3A_406 : i32 to index
      %get3A_440 = arith.constant 32 : index
      %get3A_441 = tpu.vector_load %arg14[%get3A_439, %get3A_440] {strides = array<i32>} : memref<512x64xf32, #tpu.memory_space<vmem>>, vector<16xf32>,
      %sub3A_442 = arith.subf %get3A_438, %get3A_441 : vector<16xf32>
      %mul3A_443 = arith.mulf %get3A_435, %sub3A_442 : vector<16xf32>
      %add3A_444 = arith.addf %add3A_432, %mul3A_443 : vector<16xf32>
      %get3A_445 = arith.index_cast %add3A_406 : i32 to index
      %get3A_446 = arith.constant 48 : index
      %get3A_447 = tpu.vector_load %arg12[%get3A_445, %get3A_446] {strides = array<i32>} : memref<512x64xf32, #tpu.memory_space<vmem>>, vector<16xf32>,
      %get3A_448 = arith.index_cast %add3A_406 : i32 to index
      %get3A_449 = arith.constant 48 : index
      %get3A_450 = tpu.vector_load %arg13[%get3A_448, %get3A_449] {strides = array<i32>} : memref<512x64xf32, #tpu.memory_space<vmem>>, vector<16xf32>,
      %get3A_451 = arith.index_cast %add3A_406 : i32 to index
      %get3A_452 = arith.constant 48 : index
      %get3A_453 = tpu.vector_load %arg14[%get3A_451, %get3A_452] {strides = array<i32>} : memref<512x64xf32, #tpu.memory_space<vmem>>, vector<16xf32>,
      %sub3A_454 = arith.subf %get3A_450, %get3A_453 : vector<16xf32>
      %mul3A_455 = arith.mulf %get3A_447, %sub3A_454 : vector<16xf32>
      %add3A_456 = arith.addf %add3A_444, %mul3A_455 : vector<16xf32>
      %eq3A_457 = arith.constant 6 : i32
      %eq3A_458 = vector.broadcast %eq3A_457 : i32 to vector<16xi32>
      %eq3A_459 = arith.cmpi eq, %iota3A, %eq3A_458 : vector<16xi32>
      %reduce_sum3A_460 = arith.constant true
      %reduce_sum3A_461 = vector.broadcast %reduce_sum3A_460 : i1 to vector<16xi1>
      %reduce_sum3A_462 = tpu.scan <sum>, %add3A_456 masked %reduce_sum3A_461 : vector<16xf32>, vector<16xi1> -> vector<16xf32>
      %reduce_sum3A_463 = vector.extract %reduce_sum3A_462[15] : f32 from vector<16xf32>
      %broadcast_in_dim3A_464 = vector.broadcast %reduce_sum3A_463 : f32 to vector<16xf32>
      %select_n3A_465 = arith.select %eq3A_459, %broadcast_in_dim3A_464, %select_n3A_402 : vector<16xi1>, vector<16xf32>
      %mul3A_466 = arith.constant 16 : i32
      %mul3A_467 = arith.muli %scan3A_28, %mul3A_466 : i32
      %add3A_468 = arith.constant 7 : i32
      %add3A_469 = arith.addi %mul3A_467, %add3A_468 : i32
      %broadcast_in_dim3A_470 = arith.constant 0.000000e+00 : f32
      %broadcast_in_dim3A_471 = vector.broadcast %broadcast_in_dim3A_470 : f32 to vector<16xf32>
      %get3A_472 = arith.index_cast %add3A_469 : i32 to index
      %get3A_473 = arith.constant 0 : index
      %get3A_474 = tpu.vector_load %arg12[%get3A_472, %get3A_473] {strides = array<i32>} : memref<512x64xf32, #tpu.memory_space<vmem>>, vector<16xf32>,
      %get3A_475 = arith.index_cast %add3A_469 : i32 to index
      %get3A_476 = arith.constant 0 : index
      %get3A_477 = tpu.vector_load %arg13[%get3A_475, %get3A_476] {strides = array<i32>} : memref<512x64xf32, #tpu.memory_space<vmem>>, vector<16xf32>,
      %get3A_478 = arith.index_cast %add3A_469 : i32 to index
      %get3A_479 = arith.constant 0 : index
      %get3A_480 = tpu.vector_load %arg14[%get3A_478, %get3A_479] {strides = array<i32>} : memref<512x64xf32, #tpu.memory_space<vmem>>, vector<16xf32>,
      %sub3A_481 = arith.subf %get3A_477, %get3A_480 : vector<16xf32>
      %mul3A_482 = arith.mulf %get3A_474, %sub3A_481 : vector<16xf32>
      %add3A_483 = arith.addf %broadcast_in_dim3A_471, %mul3A_482 : vector<16xf32>
      %get3A_484 = arith.index_cast %add3A_469 : i32 to index
      %get3A_485 = arith.constant 16 : index
      %get3A_486 = tpu.vector_load %arg12[%get3A_484, %get3A_485] {strides = array<i32>} : memref<512x64xf32, #tpu.memory_space<vmem>>, vector<16xf32>,
      %get3A_487 = arith.index_cast %add3A_469 : i32 to index
      %get3A_488 = arith.constant 16 : index
      %get3A_489 = tpu.vector_load %arg13[%get3A_487, %get3A_488] {strides = array<i32>} : memref<512x64xf32, #tpu.memory_space<vmem>>, vector<16xf32>,
      %get3A_490 = arith.index_cast %add3A_469 : i32 to index
      %get3A_491 = arith.constant 16 : index
      %get3A_492 = tpu.vector_load %arg14[%get3A_490, %get3A_491] {strides = array<i32>} : memref<512x64xf32, #tpu.memory_space<vmem>>, vector<16xf32>,
      %sub3A_493 = arith.subf %get3A_489, %get3A_492 : vector<16xf32>
      %mul3A_494 = arith.mulf %get3A_486, %sub3A_493 : vector<16xf32>
      %add3A_495 = arith.addf %add3A_483, %mul3A_494 : vector<16xf32>
      %get3A_496 = arith.index_cast %add3A_469 : i32 to index
      %get3A_497 = arith.constant 32 : index
      %get3A_498 = tpu.vector_load %arg12[%get3A_496, %get3A_497] {strides = array<i32>} : memref<512x64xf32, #tpu.memory_space<vmem>>, vector<16xf32>,
      %get3A_499 = arith.index_cast %add3A_469 : i32 to index
      %get3A_500 = arith.constant 32 : index
      %get3A_501 = tpu.vector_load %arg13[%get3A_499, %get3A_500] {strides = array<i32>} : memref<512x64xf32, #tpu.memory_space<vmem>>, vector<16xf32>,
      %get3A_502 = arith.index_cast %add3A_469 : i32 to index
      %get3A_503 = arith.constant 32 : index
      %get3A_504 = tpu.vector_load %arg14[%get3A_502, %get3A_503] {strides = array<i32>} : memref<512x64xf32, #tpu.memory_space<vmem>>, vector<16xf32>,
      %sub3A_505 = arith.subf %get3A_501, %get3A_504 : vector<16xf32>
      %mul3A_506 = arith.mulf %get3A_498, %sub3A_505 : vector<16xf32>
      %add3A_507 = arith.addf %add3A_495, %mul3A_506 : vector<16xf32>
      %get3A_508 = arith.index_cast %add3A_469 : i32 to index
      %get3A_509 = arith.constant 48 : index
      %get3A_510 = tpu.vector_load %arg12[%get3A_508, %get3A_509] {strides = array<i32>} : memref<512x64xf32, #tpu.memory_space<vmem>>, vector<16xf32>,
      %get3A_511 = arith.index_cast %add3A_469 : i32 to index
      %get3A_512 = arith.constant 48 : index
      %get3A_513 = tpu.vector_load %arg13[%get3A_511, %get3A_512] {strides = array<i32>} : memref<512x64xf32, #tpu.memory_space<vmem>>, vector<16xf32>,
      %get3A_514 = arith.index_cast %add3A_469 : i32 to index
      %get3A_515 = arith.constant 48 : index
      %get3A_516 = tpu.vector_load %arg14[%get3A_514, %get3A_515] {strides = array<i32>} : memref<512x64xf32, #tpu.memory_space<vmem>>, vector<16xf32>,
      %sub3A_517 = arith.subf %get3A_513, %get3A_516 : vector<16xf32>
      %mul3A_518 = arith.mulf %get3A_510, %sub3A_517 : vector<16xf32>
      %add3A_519 = arith.addf %add3A_507, %mul3A_518 : vector<16xf32>
      %eq3A_520 = arith.constant 7 : i32
      %eq3A_521 = vector.broadcast %eq3A_520 : i32 to vector<16xi32>
      %eq3A_522 = arith.cmpi eq, %iota3A, %eq3A_521 : vector<16xi32>
      %reduce_sum3A_523 = arith.constant true
      %reduce_sum3A_524 = vector.broadcast %reduce_sum3A_523 : i1 to vector<16xi1>
      %reduce_sum3A_525 = tpu.scan <sum>, %add3A_519 masked %reduce_sum3A_524 : vector<16xf32>, vector<16xi1> -> vector<16xf32>
      %reduce_sum3A_526 = vector.extract %reduce_sum3A_525[15] : f32 from vector<16xf32>
      %broadcast_in_dim3A_527 = vector.broadcast %reduce_sum3A_526 : f32 to vector<16xf32>
      %select_n3A_528 = arith.select %eq3A_522, %broadcast_in_dim3A_527, %select_n3A_465 : vector<16xi1>, vector<16xf32>
      %mul3A_529 = arith.constant 16 : i32
      %mul3A_530 = arith.muli %scan3A_28, %mul3A_529 : i32
      %add3A_531 = arith.constant 8 : i32
      %add3A_532 = arith.addi %mul3A_530, %add3A_531 : i32
      %broadcast_in_dim3A_533 = arith.constant 0.000000e+00 : f32
      %broadcast_in_dim3A_534 = vector.broadcast %broadcast_in_dim3A_533 : f32 to vector<16xf32>
      %get3A_535 = arith.index_cast %add3A_532 : i32 to index
      %get3A_536 = arith.constant 0 : index
      %get3A_537 = tpu.vector_load %arg12[%get3A_535, %get3A_536] {strides = array<i32>} : memref<512x64xf32, #tpu.memory_space<vmem>>, vector<16xf32>,
      %get3A_538 = arith.index_cast %add3A_532 : i32 to index
      %get3A_539 = arith.constant 0 : index
      %get3A_540 = tpu.vector_load %arg13[%get3A_538, %get3A_539] {strides = array<i32>} : memref<512x64xf32, #tpu.memory_space<vmem>>, vector<16xf32>,
      %get3A_541 = arith.index_cast %add3A_532 : i32 to index
      %get3A_542 = arith.constant 0 : index
      %get3A_543 = tpu.vector_load %arg14[%get3A_541, %get3A_542] {strides = array<i32>} : memref<512x64xf32, #tpu.memory_space<vmem>>, vector<16xf32>,
      %sub3A_544 = arith.subf %get3A_540, %get3A_543 : vector<16xf32>
      %mul3A_545 = arith.mulf %get3A_537, %sub3A_544 : vector<16xf32>
      %add3A_546 = arith.addf %broadcast_in_dim3A_534, %mul3A_545 : vector<16xf32>
      %get3A_547 = arith.index_cast %add3A_532 : i32 to index
      %get3A_548 = arith.constant 16 : index
      %get3A_549 = tpu.vector_load %arg12[%get3A_547, %get3A_548] {strides = array<i32>} : memref<512x64xf32, #tpu.memory_space<vmem>>, vector<16xf32>,
      %get3A_550 = arith.index_cast %add3A_532 : i32 to index
      %get3A_551 = arith.constant 16 : index
      %get3A_552 = tpu.vector_load %arg13[%get3A_550, %get3A_551] {strides = array<i32>} : memref<512x64xf32, #tpu.memory_space<vmem>>, vector<16xf32>,
      %get3A_553 = arith.index_cast %add3A_532 : i32 to index
      %get3A_554 = arith.constant 16 : index
      %get3A_555 = tpu.vector_load %arg14[%get3A_553, %get3A_554] {strides = array<i32>} : memref<512x64xf32, #tpu.memory_space<vmem>>, vector<16xf32>,
      %sub3A_556 = arith.subf %get3A_552, %get3A_555 : vector<16xf32>
      %mul3A_557 = arith.mulf %get3A_549, %sub3A_556 : vector<16xf32>
      %add3A_558 = arith.addf %add3A_546, %mul3A_557 : vector<16xf32>
      %get3A_559 = arith.index_cast %add3A_532 : i32 to index
      %get3A_560 = arith.constant 32 : index
      %get3A_561 = tpu.vector_load %arg12[%get3A_559, %get3A_560] {strides = array<i32>} : memref<512x64xf32, #tpu.memory_space<vmem>>, vector<16xf32>,
      %get3A_562 = arith.index_cast %add3A_532 : i32 to index
      %get3A_563 = arith.constant 32 : index
      %get3A_564 = tpu.vector_load %arg13[%get3A_562, %get3A_563] {strides = array<i32>} : memref<512x64xf32, #tpu.memory_space<vmem>>, vector<16xf32>,
      %get3A_565 = arith.index_cast %add3A_532 : i32 to index
      %get3A_566 = arith.constant 32 : index
      %get3A_567 = tpu.vector_load %arg14[%get3A_565, %get3A_566] {strides = array<i32>} : memref<512x64xf32, #tpu.memory_space<vmem>>, vector<16xf32>,
      %sub3A_568 = arith.subf %get3A_564, %get3A_567 : vector<16xf32>
      %mul3A_569 = arith.mulf %get3A_561, %sub3A_568 : vector<16xf32>
      %add3A_570 = arith.addf %add3A_558, %mul3A_569 : vector<16xf32>
      %get3A_571 = arith.index_cast %add3A_532 : i32 to index
      %get3A_572 = arith.constant 48 : index
      %get3A_573 = tpu.vector_load %arg12[%get3A_571, %get3A_572] {strides = array<i32>} : memref<512x64xf32, #tpu.memory_space<vmem>>, vector<16xf32>,
      %get3A_574 = arith.index_cast %add3A_532 : i32 to index
      %get3A_575 = arith.constant 48 : index
      %get3A_576 = tpu.vector_load %arg13[%get3A_574, %get3A_575] {strides = array<i32>} : memref<512x64xf32, #tpu.memory_space<vmem>>, vector<16xf32>,
      %get3A_577 = arith.index_cast %add3A_532 : i32 to index
      %get3A_578 = arith.constant 48 : index
      %get3A_579 = tpu.vector_load %arg14[%get3A_577, %get3A_578] {strides = array<i32>} : memref<512x64xf32, #tpu.memory_space<vmem>>, vector<16xf32>,
      %sub3A_580 = arith.subf %get3A_576, %get3A_579 : vector<16xf32>
      %mul3A_581 = arith.mulf %get3A_573, %sub3A_580 : vector<16xf32>
      %add3A_582 = arith.addf %add3A_570, %mul3A_581 : vector<16xf32>
      %eq3A_583 = arith.constant 8 : i32
      %eq3A_584 = vector.broadcast %eq3A_583 : i32 to vector<16xi32>
      %eq3A_585 = arith.cmpi eq, %iota3A, %eq3A_584 : vector<16xi32>
      %reduce_sum3A_586 = arith.constant true
      %reduce_sum3A_587 = vector.broadcast %reduce_sum3A_586 : i1 to vector<16xi1>
      %reduce_sum3A_588 = tpu.scan <sum>, %add3A_582 masked %reduce_sum3A_587 : vector<16xf32>, vector<16xi1> -> vector<16xf32>
      %reduce_sum3A_589 = vector.extract %reduce_sum3A_588[15] : f32 from vector<16xf32>
      %broadcast_in_dim3A_590 = vector.broadcast %reduce_sum3A_589 : f32 to vector<16xf32>
      %select_n3A_591 = arith.select %eq3A_585, %broadcast_in_dim3A_590, %select_n3A_528 : vector<16xi1>, vector<16xf32>
      %mul3A_592 = arith.constant 16 : i32
      %mul3A_593 = arith.muli %scan3A_28, %mul3A_592 : i32
      %add3A_594 = arith.constant 9 : i32
      %add3A_595 = arith.addi %mul3A_593, %add3A_594 : i32
      %broadcast_in_dim3A_596 = arith.constant 0.000000e+00 : f32
      %broadcast_in_dim3A_597 = vector.broadcast %broadcast_in_dim3A_596 : f32 to vector<16xf32>
      %get3A_598 = arith.index_cast %add3A_595 : i32 to index
      %get3A_599 = arith.constant 0 : index
      %get3A_600 = tpu.vector_load %arg12[%get3A_598, %get3A_599] {strides = array<i32>} : memref<512x64xf32, #tpu.memory_space<vmem>>, vector<16xf32>,
      %get3A_601 = arith.index_cast %add3A_595 : i32 to index
      %get3A_602 = arith.constant 0 : index
      %get3A_603 = tpu.vector_load %arg13[%get3A_601, %get3A_602] {strides = array<i32>} : memref<512x64xf32, #tpu.memory_space<vmem>>, vector<16xf32>,
      %get3A_604 = arith.index_cast %add3A_595 : i32 to index
      %get3A_605 = arith.constant 0 : index
      %get3A_606 = tpu.vector_load %arg14[%get3A_604, %get3A_605] {strides = array<i32>} : memref<512x64xf32, #tpu.memory_space<vmem>>, vector<16xf32>,
      %sub3A_607 = arith.subf %get3A_603, %get3A_606 : vector<16xf32>
      %mul3A_608 = arith.mulf %get3A_600, %sub3A_607 : vector<16xf32>
      %add3A_609 = arith.addf %broadcast_in_dim3A_597, %mul3A_608 : vector<16xf32>
      %get3A_610 = arith.index_cast %add3A_595 : i32 to index
      %get3A_611 = arith.constant 16 : index
      %get3A_612 = tpu.vector_load %arg12[%get3A_610, %get3A_611] {strides = array<i32>} : memref<512x64xf32, #tpu.memory_space<vmem>>, vector<16xf32>,
      %get3A_613 = arith.index_cast %add3A_595 : i32 to index
      %get3A_614 = arith.constant 16 : index
      %get3A_615 = tpu.vector_load %arg13[%get3A_613, %get3A_614] {strides = array<i32>} : memref<512x64xf32, #tpu.memory_space<vmem>>, vector<16xf32>,
      %get3A_616 = arith.index_cast %add3A_595 : i32 to index
      %get3A_617 = arith.constant 16 : index
      %get3A_618 = tpu.vector_load %arg14[%get3A_616, %get3A_617] {strides = array<i32>} : memref<512x64xf32, #tpu.memory_space<vmem>>, vector<16xf32>,
      %sub3A_619 = arith.subf %get3A_615, %get3A_618 : vector<16xf32>
      %mul3A_620 = arith.mulf %get3A_612, %sub3A_619 : vector<16xf32>
      %add3A_621 = arith.addf %add3A_609, %mul3A_620 : vector<16xf32>
      %get3A_622 = arith.index_cast %add3A_595 : i32 to index
      %get3A_623 = arith.constant 32 : index
      %get3A_624 = tpu.vector_load %arg12[%get3A_622, %get3A_623] {strides = array<i32>} : memref<512x64xf32, #tpu.memory_space<vmem>>, vector<16xf32>,
      %get3A_625 = arith.index_cast %add3A_595 : i32 to index
      %get3A_626 = arith.constant 32 : index
      %get3A_627 = tpu.vector_load %arg13[%get3A_625, %get3A_626] {strides = array<i32>} : memref<512x64xf32, #tpu.memory_space<vmem>>, vector<16xf32>,
      %get3A_628 = arith.index_cast %add3A_595 : i32 to index
      %get3A_629 = arith.constant 32 : index
      %get3A_630 = tpu.vector_load %arg14[%get3A_628, %get3A_629] {strides = array<i32>} : memref<512x64xf32, #tpu.memory_space<vmem>>, vector<16xf32>,
      %sub3A_631 = arith.subf %get3A_627, %get3A_630 : vector<16xf32>
      %mul3A_632 = arith.mulf %get3A_624, %sub3A_631 : vector<16xf32>
      %add3A_633 = arith.addf %add3A_621, %mul3A_632 : vector<16xf32>
      %get3A_634 = arith.index_cast %add3A_595 : i32 to index
      %get3A_635 = arith.constant 48 : index
      %get3A_636 = tpu.vector_load %arg12[%get3A_634, %get3A_635] {strides = array<i32>} : memref<512x64xf32, #tpu.memory_space<vmem>>, vector<16xf32>,
      %get3A_637 = arith.index_cast %add3A_595 : i32 to index
      %get3A_638 = arith.constant 48 : index
      %get3A_639 = tpu.vector_load %arg13[%get3A_637, %get3A_638] {strides = array<i32>} : memref<512x64xf32, #tpu.memory_space<vmem>>, vector<16xf32>,
      %get3A_640 = arith.index_cast %add3A_595 : i32 to index
      %get3A_641 = arith.constant 48 : index
      %get3A_642 = tpu.vector_load %arg14[%get3A_640, %get3A_641] {strides = array<i32>} : memref<512x64xf32, #tpu.memory_space<vmem>>, vector<16xf32>,
      %sub3A_643 = arith.subf %get3A_639, %get3A_642 : vector<16xf32>
      %mul3A_644 = arith.mulf %get3A_636, %sub3A_643 : vector<16xf32>
      %add3A_645 = arith.addf %add3A_633, %mul3A_644 : vector<16xf32>
      %eq3A_646 = arith.constant 9 : i32
      %eq3A_647 = vector.broadcast %eq3A_646 : i32 to vector<16xi32>
      %eq3A_648 = arith.cmpi eq, %iota3A, %eq3A_647 : vector<16xi32>
      %reduce_sum3A_649 = arith.constant true
      %reduce_sum3A_650 = vector.broadcast %reduce_sum3A_649 : i1 to vector<16xi1>
      %reduce_sum3A_651 = tpu.scan <sum>, %add3A_645 masked %reduce_sum3A_650 : vector<16xf32>, vector<16xi1> -> vector<16xf32>
      %reduce_sum3A_652 = vector.extract %reduce_sum3A_651[15] : f32 from vector<16xf32>
      %broadcast_in_dim3A_653 = vector.broadcast %reduce_sum3A_652 : f32 to vector<16xf32>
      %select_n3A_654 = arith.select %eq3A_648, %broadcast_in_dim3A_653, %select_n3A_591 : vector<16xi1>, vector<16xf32>
      %mul3A_655 = arith.constant 16 : i32
      %mul3A_656 = arith.muli %scan3A_28, %mul3A_655 : i32
      %add3A_657 = arith.constant 10 : i32
      %add3A_658 = arith.addi %mul3A_656, %add3A_657 : i32
      %broadcast_in_dim3A_659 = arith.constant 0.000000e+00 : f32
      %broadcast_in_dim3A_660 = vector.broadcast %broadcast_in_dim3A_659 : f32 to vector<16xf32>
      %get3A_661 = arith.index_cast %add3A_658 : i32 to index
      %get3A_662 = arith.constant 0 : index
      %get3A_663 = tpu.vector_load %arg12[%get3A_661, %get3A_662] {strides = array<i32>} : memref<512x64xf32, #tpu.memory_space<vmem>>, vector<16xf32>,
      %get3A_664 = arith.index_cast %add3A_658 : i32 to index
      %get3A_665 = arith.constant 0 : index
      %get3A_666 = tpu.vector_load %arg13[%get3A_664, %get3A_665] {strides = array<i32>} : memref<512x64xf32, #tpu.memory_space<vmem>>, vector<16xf32>,
      %get3A_667 = arith.index_cast %add3A_658 : i32 to index
      %get3A_668 = arith.constant 0 : index
      %get3A_669 = tpu.vector_load %arg14[%get3A_667, %get3A_668] {strides = array<i32>} : memref<512x64xf32, #tpu.memory_space<vmem>>, vector<16xf32>,
      %sub3A_670 = arith.subf %get3A_666, %get3A_669 : vector<16xf32>
      %mul3A_671 = arith.mulf %get3A_663, %sub3A_670 : vector<16xf32>
      %add3A_672 = arith.addf %broadcast_in_dim3A_660, %mul3A_671 : vector<16xf32>
      %get3A_673 = arith.index_cast %add3A_658 : i32 to index
      %get3A_674 = arith.constant 16 : index
      %get3A_675 = tpu.vector_load %arg12[%get3A_673, %get3A_674] {strides = array<i32>} : memref<512x64xf32, #tpu.memory_space<vmem>>, vector<16xf32>,
      %get3A_676 = arith.index_cast %add3A_658 : i32 to index
      %get3A_677 = arith.constant 16 : index
      %get3A_678 = tpu.vector_load %arg13[%get3A_676, %get3A_677] {strides = array<i32>} : memref<512x64xf32, #tpu.memory_space<vmem>>, vector<16xf32>,
      %get3A_679 = arith.index_cast %add3A_658 : i32 to index
      %get3A_680 = arith.constant 16 : index
      %get3A_681 = tpu.vector_load %arg14[%get3A_679, %get3A_680] {strides = array<i32>} : memref<512x64xf32, #tpu.memory_space<vmem>>, vector<16xf32>,
      %sub3A_682 = arith.subf %get3A_678, %get3A_681 : vector<16xf32>
      %mul3A_683 = arith.mulf %get3A_675, %sub3A_682 : vector<16xf32>
      %add3A_684 = arith.addf %add3A_672, %mul3A_683 : vector<16xf32>
      %get3A_685 = arith.index_cast %add3A_658 : i32 to index
      %get3A_686 = arith.constant 32 : index
      %get3A_687 = tpu.vector_load %arg12[%get3A_685, %get3A_686] {strides = array<i32>} : memref<512x64xf32, #tpu.memory_space<vmem>>, vector<16xf32>,
      %get3A_688 = arith.index_cast %add3A_658 : i32 to index
      %get3A_689 = arith.constant 32 : index
      %get3A_690 = tpu.vector_load %arg13[%get3A_688, %get3A_689] {strides = array<i32>} : memref<512x64xf32, #tpu.memory_space<vmem>>, vector<16xf32>,
      %get3A_691 = arith.index_cast %add3A_658 : i32 to index
      %get3A_692 = arith.constant 32 : index
      %get3A_693 = tpu.vector_load %arg14[%get3A_691, %get3A_692] {strides = array<i32>} : memref<512x64xf32, #tpu.memory_space<vmem>>, vector<16xf32>,
      %sub3A_694 = arith.subf %get3A_690, %get3A_693 : vector<16xf32>
      %mul3A_695 = arith.mulf %get3A_687, %sub3A_694 : vector<16xf32>
      %add3A_696 = arith.addf %add3A_684, %mul3A_695 : vector<16xf32>
      %get3A_697 = arith.index_cast %add3A_658 : i32 to index
      %get3A_698 = arith.constant 48 : index
      %get3A_699 = tpu.vector_load %arg12[%get3A_697, %get3A_698] {strides = array<i32>} : memref<512x64xf32, #tpu.memory_space<vmem>>, vector<16xf32>,
      %get3A_700 = arith.index_cast %add3A_658 : i32 to index
      %get3A_701 = arith.constant 48 : index
      %get3A_702 = tpu.vector_load %arg13[%get3A_700, %get3A_701] {strides = array<i32>} : memref<512x64xf32, #tpu.memory_space<vmem>>, vector<16xf32>,
      %get3A_703 = arith.index_cast %add3A_658 : i32 to index
      %get3A_704 = arith.constant 48 : index
      %get3A_705 = tpu.vector_load %arg14[%get3A_703, %get3A_704] {strides = array<i32>} : memref<512x64xf32, #tpu.memory_space<vmem>>, vector<16xf32>,
      %sub3A_706 = arith.subf %get3A_702, %get3A_705 : vector<16xf32>
      %mul3A_707 = arith.mulf %get3A_699, %sub3A_706 : vector<16xf32>
      %add3A_708 = arith.addf %add3A_696, %mul3A_707 : vector<16xf32>
      %eq3A_709 = arith.constant 10 : i32
      %eq3A_710 = vector.broadcast %eq3A_709 : i32 to vector<16xi32>
      %eq3A_711 = arith.cmpi eq, %iota3A, %eq3A_710 : vector<16xi32>
      %reduce_sum3A_712 = arith.constant true
      %reduce_sum3A_713 = vector.broadcast %reduce_sum3A_712 : i1 to vector<16xi1>
      %reduce_sum3A_714 = tpu.scan <sum>, %add3A_708 masked %reduce_sum3A_713 : vector<16xf32>, vector<16xi1> -> vector<16xf32>
      %reduce_sum3A_715 = vector.extract %reduce_sum3A_714[15] : f32 from vector<16xf32>
      %broadcast_in_dim3A_716 = vector.broadcast %reduce_sum3A_715 : f32 to vector<16xf32>
      %select_n3A_717 = arith.select %eq3A_711, %broadcast_in_dim3A_716, %select_n3A_654 : vector<16xi1>, vector<16xf32>
      %mul3A_718 = arith.constant 16 : i32
      %mul3A_719 = arith.muli %scan3A_28, %mul3A_718 : i32
      %add3A_720 = arith.constant 11 : i32
      %add3A_721 = arith.addi %mul3A_719, %add3A_720 : i32
      %broadcast_in_dim3A_722 = arith.constant 0.000000e+00 : f32
      %broadcast_in_dim3A_723 = vector.broadcast %broadcast_in_dim3A_722 : f32 to vector<16xf32>
      %get3A_724 = arith.index_cast %add3A_721 : i32 to index
      %get3A_725 = arith.constant 0 : index
      %get3A_726 = tpu.vector_load %arg12[%get3A_724, %get3A_725] {strides = array<i32>} : memref<512x64xf32, #tpu.memory_space<vmem>>, vector<16xf32>,
      %get3A_727 = arith.index_cast %add3A_721 : i32 to index
      %get3A_728 = arith.constant 0 : index
      %get3A_729 = tpu.vector_load %arg13[%get3A_727, %get3A_728] {strides = array<i32>} : memref<512x64xf32, #tpu.memory_space<vmem>>, vector<16xf32>,
      %get3A_730 = arith.index_cast %add3A_721 : i32 to index
      %get3A_731 = arith.constant 0 : index
      %get3A_732 = tpu.vector_load %arg14[%get3A_730, %get3A_731] {strides = array<i32>} : memref<512x64xf32, #tpu.memory_space<vmem>>, vector<16xf32>,
      %sub3A_733 = arith.subf %get3A_729, %get3A_732 : vector<16xf32>
      %mul3A_734 = arith.mulf %get3A_726, %sub3A_733 : vector<16xf32>
      %add3A_735 = arith.addf %broadcast_in_dim3A_723, %mul3A_734 : vector<16xf32>
      %get3A_736 = arith.index_cast %add3A_721 : i32 to index
      %get3A_737 = arith.constant 16 : index
      %get3A_738 = tpu.vector_load %arg12[%get3A_736, %get3A_737] {strides = array<i32>} : memref<512x64xf32, #tpu.memory_space<vmem>>, vector<16xf32>,
      %get3A_739 = arith.index_cast %add3A_721 : i32 to index
      %get3A_740 = arith.constant 16 : index
      %get3A_741 = tpu.vector_load %arg13[%get3A_739, %get3A_740] {strides = array<i32>} : memref<512x64xf32, #tpu.memory_space<vmem>>, vector<16xf32>,
      %get3A_742 = arith.index_cast %add3A_721 : i32 to index
      %get3A_743 = arith.constant 16 : index
      %get3A_744 = tpu.vector_load %arg14[%get3A_742, %get3A_743] {strides = array<i32>} : memref<512x64xf32, #tpu.memory_space<vmem>>, vector<16xf32>,
      %sub3A_745 = arith.subf %get3A_741, %get3A_744 : vector<16xf32>
      %mul3A_746 = arith.mulf %get3A_738, %sub3A_745 : vector<16xf32>
      %add3A_747 = arith.addf %add3A_735, %mul3A_746 : vector<16xf32>
      %get3A_748 = arith.index_cast %add3A_721 : i32 to index
      %get3A_749 = arith.constant 32 : index
      %get3A_750 = tpu.vector_load %arg12[%get3A_748, %get3A_749] {strides = array<i32>} : memref<512x64xf32, #tpu.memory_space<vmem>>, vector<16xf32>,
      %get3A_751 = arith.index_cast %add3A_721 : i32 to index
      %get3A_752 = arith.constant 32 : index
      %get3A_753 = tpu.vector_load %arg13[%get3A_751, %get3A_752] {strides = array<i32>} : memref<512x64xf32, #tpu.memory_space<vmem>>, vector<16xf32>,
      %get3A_754 = arith.index_cast %add3A_721 : i32 to index
      %get3A_755 = arith.constant 32 : index
      %get3A_756 = tpu.vector_load %arg14[%get3A_754, %get3A_755] {strides = array<i32>} : memref<512x64xf32, #tpu.memory_space<vmem>>, vector<16xf32>,
      %sub3A_757 = arith.subf %get3A_753, %get3A_756 : vector<16xf32>
      %mul3A_758 = arith.mulf %get3A_750, %sub3A_757 : vector<16xf32>
      %add3A_759 = arith.addf %add3A_747, %mul3A_758 : vector<16xf32>
      %get3A_760 = arith.index_cast %add3A_721 : i32 to index
      %get3A_761 = arith.constant 48 : index
      %get3A_762 = tpu.vector_load %arg12[%get3A_760, %get3A_761] {strides = array<i32>} : memref<512x64xf32, #tpu.memory_space<vmem>>, vector<16xf32>,
      %get3A_763 = arith.index_cast %add3A_721 : i32 to index
      %get3A_764 = arith.constant 48 : index
      %get3A_765 = tpu.vector_load %arg13[%get3A_763, %get3A_764] {strides = array<i32>} : memref<512x64xf32, #tpu.memory_space<vmem>>, vector<16xf32>,
      %get3A_766 = arith.index_cast %add3A_721 : i32 to index
      %get3A_767 = arith.constant 48 : index
      %get3A_768 = tpu.vector_load %arg14[%get3A_766, %get3A_767] {strides = array<i32>} : memref<512x64xf32, #tpu.memory_space<vmem>>, vector<16xf32>,
      %sub3A_769 = arith.subf %get3A_765, %get3A_768 : vector<16xf32>
      %mul3A_770 = arith.mulf %get3A_762, %sub3A_769 : vector<16xf32>
      %add3A_771 = arith.addf %add3A_759, %mul3A_770 : vector<16xf32>
      %eq3A_772 = arith.constant 11 : i32
      %eq3A_773 = vector.broadcast %eq3A_772 : i32 to vector<16xi32>
      %eq3A_774 = arith.cmpi eq, %iota3A, %eq3A_773 : vector<16xi32>
      %reduce_sum3A_775 = arith.constant true
      %reduce_sum3A_776 = vector.broadcast %reduce_sum3A_775 : i1 to vector<16xi1>
      %reduce_sum3A_777 = tpu.scan <sum>, %add3A_771 masked %reduce_sum3A_776 : vector<16xf32>, vector<16xi1> -> vector<16xf32>
      %reduce_sum3A_778 = vector.extract %reduce_sum3A_777[15] : f32 from vector<16xf32>
      %broadcast_in_dim3A_779 = vector.broadcast %reduce_sum3A_778 : f32 to vector<16xf32>
      %select_n3A_780 = arith.select %eq3A_774, %broadcast_in_dim3A_779, %select_n3A_717 : vector<16xi1>, vector<16xf32>
      %mul3A_781 = arith.constant 16 : i32
      %mul3A_782 = arith.muli %scan3A_28, %mul3A_781 : i32
      %add3A_783 = arith.constant 12 : i32
      %add3A_784 = arith.addi %mul3A_782, %add3A_783 : i32
      %broadcast_in_dim3A_785 = arith.constant 0.000000e+00 : f32
      %broadcast_in_dim3A_786 = vector.broadcast %broadcast_in_dim3A_785 : f32 to vector<16xf32>
      %get3A_787 = arith.index_cast %add3A_784 : i32 to index
      %get3A_788 = arith.constant 0 : index
      %get3A_789 = tpu.vector_load %arg12[%get3A_787, %get3A_788] {strides = array<i32>} : memref<512x64xf32, #tpu.memory_space<vmem>>, vector<16xf32>,
      %get3A_790 = arith.index_cast %add3A_784 : i32 to index
      %get3A_791 = arith.constant 0 : index
      %get3A_792 = tpu.vector_load %arg13[%get3A_790, %get3A_791] {strides = array<i32>} : memref<512x64xf32, #tpu.memory_space<vmem>>, vector<16xf32>,
      %get3A_793 = arith.index_cast %add3A_784 : i32 to index
      %get3A_794 = arith.constant 0 : index
      %get3A_795 = tpu.vector_load %arg14[%get3A_793, %get3A_794] {strides = array<i32>} : memref<512x64xf32, #tpu.memory_space<vmem>>, vector<16xf32>,
      %sub3A_796 = arith.subf %get3A_792, %get3A_795 : vector<16xf32>
      %mul3A_797 = arith.mulf %get3A_789, %sub3A_796 : vector<16xf32>
      %add3A_798 = arith.addf %broadcast_in_dim3A_786, %mul3A_797 : vector<16xf32>
      %get3A_799 = arith.index_cast %add3A_784 : i32 to index
      %get3A_800 = arith.constant 16 : index
      %get3A_801 = tpu.vector_load %arg12[%get3A_799, %get3A_800] {strides = array<i32>} : memref<512x64xf32, #tpu.memory_space<vmem>>, vector<16xf32>,
      %get3A_802 = arith.index_cast %add3A_784 : i32 to index
      %get3A_803 = arith.constant 16 : index
      %get3A_804 = tpu.vector_load %arg13[%get3A_802, %get3A_803] {strides = array<i32>} : memref<512x64xf32, #tpu.memory_space<vmem>>, vector<16xf32>,
      %get3A_805 = arith.index_cast %add3A_784 : i32 to index
      %get3A_806 = arith.constant 16 : index
      %get3A_807 = tpu.vector_load %arg14[%get3A_805, %get3A_806] {strides = array<i32>} : memref<512x64xf32, #tpu.memory_space<vmem>>, vector<16xf32>,
      %sub3A_808 = arith.subf %get3A_804, %get3A_807 : vector<16xf32>
      %mul3A_809 = arith.mulf %get3A_801, %sub3A_808 : vector<16xf32>
      %add3A_810 = arith.addf %add3A_798, %mul3A_809 : vector<16xf32>
      %get3A_811 = arith.index_cast %add3A_784 : i32 to index
      %get3A_812 = arith.constant 32 : index
      %get3A_813 = tpu.vector_load %arg12[%get3A_811, %get3A_812] {strides = array<i32>} : memref<512x64xf32, #tpu.memory_space<vmem>>, vector<16xf32>,
      %get3A_814 = arith.index_cast %add3A_784 : i32 to index
      %get3A_815 = arith.constant 32 : index
      %get3A_816 = tpu.vector_load %arg13[%get3A_814, %get3A_815] {strides = array<i32>} : memref<512x64xf32, #tpu.memory_space<vmem>>, vector<16xf32>,
      %get3A_817 = arith.index_cast %add3A_784 : i32 to index
      %get3A_818 = arith.constant 32 : index
      %get3A_819 = tpu.vector_load %arg14[%get3A_817, %get3A_818] {strides = array<i32>} : memref<512x64xf32, #tpu.memory_space<vmem>>, vector<16xf32>,
      %sub3A_820 = arith.subf %get3A_816, %get3A_819 : vector<16xf32>
      %mul3A_821 = arith.mulf %get3A_813, %sub3A_820 : vector<16xf32>
      %add3A_822 = arith.addf %add3A_810, %mul3A_821 : vector<16xf32>
      %get3A_823 = arith.index_cast %add3A_784 : i32 to index
      %get3A_824 = arith.constant 48 : index
      %get3A_825 = tpu.vector_load %arg12[%get3A_823, %get3A_824] {strides = array<i32>} : memref<512x64xf32, #tpu.memory_space<vmem>>, vector<16xf32>,
      %get3A_826 = arith.index_cast %add3A_784 : i32 to index
      %get3A_827 = arith.constant 48 : index
      %get3A_828 = tpu.vector_load %arg13[%get3A_826, %get3A_827] {strides = array<i32>} : memref<512x64xf32, #tpu.memory_space<vmem>>, vector<16xf32>,
      %get3A_829 = arith.index_cast %add3A_784 : i32 to index
      %get3A_830 = arith.constant 48 : index
      %get3A_831 = tpu.vector_load %arg14[%get3A_829, %get3A_830] {strides = array<i32>} : memref<512x64xf32, #tpu.memory_space<vmem>>, vector<16xf32>,
      %sub3A_832 = arith.subf %get3A_828, %get3A_831 : vector<16xf32>
      %mul3A_833 = arith.mulf %get3A_825, %sub3A_832 : vector<16xf32>
      %add3A_834 = arith.addf %add3A_822, %mul3A_833 : vector<16xf32>
      %eq3A_835 = arith.constant 12 : i32
      %eq3A_836 = vector.broadcast %eq3A_835 : i32 to vector<16xi32>
      %eq3A_837 = arith.cmpi eq, %iota3A, %eq3A_836 : vector<16xi32>
      %reduce_sum3A_838 = arith.constant true
      %reduce_sum3A_839 = vector.broadcast %reduce_sum3A_838 : i1 to vector<16xi1>
      %reduce_sum3A_840 = tpu.scan <sum>, %add3A_834 masked %reduce_sum3A_839 : vector<16xf32>, vector<16xi1> -> vector<16xf32>
      %reduce_sum3A_841 = vector.extract %reduce_sum3A_840[15] : f32 from vector<16xf32>
      %broadcast_in_dim3A_842 = vector.broadcast %reduce_sum3A_841 : f32 to vector<16xf32>
      %select_n3A_843 = arith.select %eq3A_837, %broadcast_in_dim3A_842, %select_n3A_780 : vector<16xi1>, vector<16xf32>
      %mul3A_844 = arith.constant 16 : i32
      %mul3A_845 = arith.muli %scan3A_28, %mul3A_844 : i32
      %add3A_846 = arith.constant 13 : i32
      %add3A_847 = arith.addi %mul3A_845, %add3A_846 : i32
      %broadcast_in_dim3A_848 = arith.constant 0.000000e+00 : f32
      %broadcast_in_dim3A_849 = vector.broadcast %broadcast_in_dim3A_848 : f32 to vector<16xf32>
      %get3A_850 = arith.index_cast %add3A_847 : i32 to index
      %get3A_851 = arith.constant 0 : index
      %get3A_852 = tpu.vector_load %arg12[%get3A_850, %get3A_851] {strides = array<i32>} : memref<512x64xf32, #tpu.memory_space<vmem>>, vector<16xf32>,
      %get3A_853 = arith.index_cast %add3A_847 : i32 to index
      %get3A_854 = arith.constant 0 : index
      %get3A_855 = tpu.vector_load %arg13[%get3A_853, %get3A_854] {strides = array<i32>} : memref<512x64xf32, #tpu.memory_space<vmem>>, vector<16xf32>,
      %get3A_856 = arith.index_cast %add3A_847 : i32 to index
      %get3A_857 = arith.constant 0 : index
      %get3A_858 = tpu.vector_load %arg14[%get3A_856, %get3A_857] {strides = array<i32>} : memref<512x64xf32, #tpu.memory_space<vmem>>, vector<16xf32>,
      %sub3A_859 = arith.subf %get3A_855, %get3A_858 : vector<16xf32>
      %mul3A_860 = arith.mulf %get3A_852, %sub3A_859 : vector<16xf32>
      %add3A_861 = arith.addf %broadcast_in_dim3A_849, %mul3A_860 : vector<16xf32>
      %get3A_862 = arith.index_cast %add3A_847 : i32 to index
      %get3A_863 = arith.constant 16 : index
      %get3A_864 = tpu.vector_load %arg12[%get3A_862, %get3A_863] {strides = array<i32>} : memref<512x64xf32, #tpu.memory_space<vmem>>, vector<16xf32>,
      %get3A_865 = arith.index_cast %add3A_847 : i32 to index
      %get3A_866 = arith.constant 16 : index
      %get3A_867 = tpu.vector_load %arg13[%get3A_865, %get3A_866] {strides = array<i32>} : memref<512x64xf32, #tpu.memory_space<vmem>>, vector<16xf32>,
      %get3A_868 = arith.index_cast %add3A_847 : i32 to index
      %get3A_869 = arith.constant 16 : index
      %get3A_870 = tpu.vector_load %arg14[%get3A_868, %get3A_869] {strides = array<i32>} : memref<512x64xf32, #tpu.memory_space<vmem>>, vector<16xf32>,
      %sub3A_871 = arith.subf %get3A_867, %get3A_870 : vector<16xf32>
      %mul3A_872 = arith.mulf %get3A_864, %sub3A_871 : vector<16xf32>
      %add3A_873 = arith.addf %add3A_861, %mul3A_872 : vector<16xf32>
      %get3A_874 = arith.index_cast %add3A_847 : i32 to index
      %get3A_875 = arith.constant 32 : index
      %get3A_876 = tpu.vector_load %arg12[%get3A_874, %get3A_875] {strides = array<i32>} : memref<512x64xf32, #tpu.memory_space<vmem>>, vector<16xf32>,
      %get3A_877 = arith.index_cast %add3A_847 : i32 to index
      %get3A_878 = arith.constant 32 : index
      %get3A_879 = tpu.vector_load %arg13[%get3A_877, %get3A_878] {strides = array<i32>} : memref<512x64xf32, #tpu.memory_space<vmem>>, vector<16xf32>,
      %get3A_880 = arith.index_cast %add3A_847 : i32 to index
      %get3A_881 = arith.constant 32 : index
      %get3A_882 = tpu.vector_load %arg14[%get3A_880, %get3A_881] {strides = array<i32>} : memref<512x64xf32, #tpu.memory_space<vmem>>, vector<16xf32>,
      %sub3A_883 = arith.subf %get3A_879, %get3A_882 : vector<16xf32>
      %mul3A_884 = arith.mulf %get3A_876, %sub3A_883 : vector<16xf32>
      %add3A_885 = arith.addf %add3A_873, %mul3A_884 : vector<16xf32>
      %get3A_886 = arith.index_cast %add3A_847 : i32 to index
      %get3A_887 = arith.constant 48 : index
      %get3A_888 = tpu.vector_load %arg12[%get3A_886, %get3A_887] {strides = array<i32>} : memref<512x64xf32, #tpu.memory_space<vmem>>, vector<16xf32>,
      %get3A_889 = arith.index_cast %add3A_847 : i32 to index
      %get3A_890 = arith.constant 48 : index
      %get3A_891 = tpu.vector_load %arg13[%get3A_889, %get3A_890] {strides = array<i32>} : memref<512x64xf32, #tpu.memory_space<vmem>>, vector<16xf32>,
      %get3A_892 = arith.index_cast %add3A_847 : i32 to index
      %get3A_893 = arith.constant 48 : index
      %get3A_894 = tpu.vector_load %arg14[%get3A_892, %get3A_893] {strides = array<i32>} : memref<512x64xf32, #tpu.memory_space<vmem>>, vector<16xf32>,
      %sub3A_895 = arith.subf %get3A_891, %get3A_894 : vector<16xf32>
      %mul3A_896 = arith.mulf %get3A_888, %sub3A_895 : vector<16xf32>
      %add3A_897 = arith.addf %add3A_885, %mul3A_896 : vector<16xf32>
      %eq3A_898 = arith.constant 13 : i32
      %eq3A_899 = vector.broadcast %eq3A_898 : i32 to vector<16xi32>
      %eq3A_900 = arith.cmpi eq, %iota3A, %eq3A_899 : vector<16xi32>
      %reduce_sum3A_901 = arith.constant true
      %reduce_sum3A_902 = vector.broadcast %reduce_sum3A_901 : i1 to vector<16xi1>
      %reduce_sum3A_903 = tpu.scan <sum>, %add3A_897 masked %reduce_sum3A_902 : vector<16xf32>, vector<16xi1> -> vector<16xf32>
      %reduce_sum3A_904 = vector.extract %reduce_sum3A_903[15] : f32 from vector<16xf32>
      %broadcast_in_dim3A_905 = vector.broadcast %reduce_sum3A_904 : f32 to vector<16xf32>
      %select_n3A_906 = arith.select %eq3A_900, %broadcast_in_dim3A_905, %select_n3A_843 : vector<16xi1>, vector<16xf32>
      %mul3A_907 = arith.constant 16 : i32
      %mul3A_908 = arith.muli %scan3A_28, %mul3A_907 : i32
      %add3A_909 = arith.constant 14 : i32
      %add3A_910 = arith.addi %mul3A_908, %add3A_909 : i32
      %broadcast_in_dim3A_911 = arith.constant 0.000000e+00 : f32
      %broadcast_in_dim3A_912 = vector.broadcast %broadcast_in_dim3A_911 : f32 to vector<16xf32>
      %get3A_913 = arith.index_cast %add3A_910 : i32 to index
      %get3A_914 = arith.constant 0 : index
      %get3A_915 = tpu.vector_load %arg12[%get3A_913, %get3A_914] {strides = array<i32>} : memref<512x64xf32, #tpu.memory_space<vmem>>, vector<16xf32>,
      %get3A_916 = arith.index_cast %add3A_910 : i32 to index
      %get3A_917 = arith.constant 0 : index
      %get3A_918 = tpu.vector_load %arg13[%get3A_916, %get3A_917] {strides = array<i32>} : memref<512x64xf32, #tpu.memory_space<vmem>>, vector<16xf32>,
      %get3A_919 = arith.index_cast %add3A_910 : i32 to index
      %get3A_920 = arith.constant 0 : index
      %get3A_921 = tpu.vector_load %arg14[%get3A_919, %get3A_920] {strides = array<i32>} : memref<512x64xf32, #tpu.memory_space<vmem>>, vector<16xf32>,
      %sub3A_922 = arith.subf %get3A_918, %get3A_921 : vector<16xf32>
      %mul3A_923 = arith.mulf %get3A_915, %sub3A_922 : vector<16xf32>
      %add3A_924 = arith.addf %broadcast_in_dim3A_912, %mul3A_923 : vector<16xf32>
      %get3A_925 = arith.index_cast %add3A_910 : i32 to index
      %get3A_926 = arith.constant 16 : index
      %get3A_927 = tpu.vector_load %arg12[%get3A_925, %get3A_926] {strides = array<i32>} : memref<512x64xf32, #tpu.memory_space<vmem>>, vector<16xf32>,
      %get3A_928 = arith.index_cast %add3A_910 : i32 to index
      %get3A_929 = arith.constant 16 : index
      %get3A_930 = tpu.vector_load %arg13[%get3A_928, %get3A_929] {strides = array<i32>} : memref<512x64xf32, #tpu.memory_space<vmem>>, vector<16xf32>,
      %get3A_931 = arith.index_cast %add3A_910 : i32 to index
      %get3A_932 = arith.constant 16 : index
      %get3A_933 = tpu.vector_load %arg14[%get3A_931, %get3A_932] {strides = array<i32>} : memref<512x64xf32, #tpu.memory_space<vmem>>, vector<16xf32>,
      %sub3A_934 = arith.subf %get3A_930, %get3A_933 : vector<16xf32>
      %mul3A_935 = arith.mulf %get3A_927, %sub3A_934 : vector<16xf32>
      %add3A_936 = arith.addf %add3A_924, %mul3A_935 : vector<16xf32>
      %get3A_937 = arith.index_cast %add3A_910 : i32 to index
      %get3A_938 = arith.constant 32 : index
      %get3A_939 = tpu.vector_load %arg12[%get3A_937, %get3A_938] {strides = array<i32>} : memref<512x64xf32, #tpu.memory_space<vmem>>, vector<16xf32>,
      %get3A_940 = arith.index_cast %add3A_910 : i32 to index
      %get3A_941 = arith.constant 32 : index
      %get3A_942 = tpu.vector_load %arg13[%get3A_940, %get3A_941] {strides = array<i32>} : memref<512x64xf32, #tpu.memory_space<vmem>>, vector<16xf32>,
      %get3A_943 = arith.index_cast %add3A_910 : i32 to index
      %get3A_944 = arith.constant 32 : index
      %get3A_945 = tpu.vector_load %arg14[%get3A_943, %get3A_944] {strides = array<i32>} : memref<512x64xf32, #tpu.memory_space<vmem>>, vector<16xf32>,
      %sub3A_946 = arith.subf %get3A_942, %get3A_945 : vector<16xf32>
      %mul3A_947 = arith.mulf %get3A_939, %sub3A_946 : vector<16xf32>
      %add3A_948 = arith.addf %add3A_936, %mul3A_947 : vector<16xf32>
      %get3A_949 = arith.index_cast %add3A_910 : i32 to index
      %get3A_950 = arith.constant 48 : index
      %get3A_951 = tpu.vector_load %arg12[%get3A_949, %get3A_950] {strides = array<i32>} : memref<512x64xf32, #tpu.memory_space<vmem>>, vector<16xf32>,
      %get3A_952 = arith.index_cast %add3A_910 : i32 to index
      %get3A_953 = arith.constant 48 : index
      %get3A_954 = tpu.vector_load %arg13[%get3A_952, %get3A_953] {strides = array<i32>} : memref<512x64xf32, #tpu.memory_space<vmem>>, vector<16xf32>,
      %get3A_955 = arith.index_cast %add3A_910 : i32 to index
      %get3A_956 = arith.constant 48 : index
      %get3A_957 = tpu.vector_load %arg14[%get3A_955, %get3A_956] {strides = array<i32>} : memref<512x64xf32, #tpu.memory_space<vmem>>, vector<16xf32>,
      %sub3A_958 = arith.subf %get3A_954, %get3A_957 : vector<16xf32>
      %mul3A_959 = arith.mulf %get3A_951, %sub3A_958 : vector<16xf32>
      %add3A_960 = arith.addf %add3A_948, %mul3A_959 : vector<16xf32>
      %eq3A_961 = arith.constant 14 : i32
      %eq3A_962 = vector.broadcast %eq3A_961 : i32 to vector<16xi32>
      %eq3A_963 = arith.cmpi eq, %iota3A, %eq3A_962 : vector<16xi32>
      %reduce_sum3A_964 = arith.constant true
      %reduce_sum3A_965 = vector.broadcast %reduce_sum3A_964 : i1 to vector<16xi1>
      %reduce_sum3A_966 = tpu.scan <sum>, %add3A_960 masked %reduce_sum3A_965 : vector<16xf32>, vector<16xi1> -> vector<16xf32>
      %reduce_sum3A_967 = vector.extract %reduce_sum3A_966[15] : f32 from vector<16xf32>
      %broadcast_in_dim3A_968 = vector.broadcast %reduce_sum3A_967 : f32 to vector<16xf32>
      %select_n3A_969 = arith.select %eq3A_963, %broadcast_in_dim3A_968, %select_n3A_906 : vector<16xi1>, vector<16xf32>
      %mul3A_970 = arith.constant 16 : i32
      %mul3A_971 = arith.muli %scan3A_28, %mul3A_970 : i32
      %add3A_972 = arith.constant 15 : i32
      %add3A_973 = arith.addi %mul3A_971, %add3A_972 : i32
      %broadcast_in_dim3A_974 = arith.constant 0.000000e+00 : f32
      %broadcast_in_dim3A_975 = vector.broadcast %broadcast_in_dim3A_974 : f32 to vector<16xf32>
      %get3A_976 = arith.index_cast %add3A_973 : i32 to index
      %get3A_977 = arith.constant 0 : index
      %get3A_978 = tpu.vector_load %arg12[%get3A_976, %get3A_977] {strides = array<i32>} : memref<512x64xf32, #tpu.memory_space<vmem>>, vector<16xf32>,
      %get3A_979 = arith.index_cast %add3A_973 : i32 to index
      %get3A_980 = arith.constant 0 : index
      %get3A_981 = tpu.vector_load %arg13[%get3A_979, %get3A_980] {strides = array<i32>} : memref<512x64xf32, #tpu.memory_space<vmem>>, vector<16xf32>,
      %get3A_982 = arith.index_cast %add3A_973 : i32 to index
      %get3A_983 = arith.constant 0 : index
      %get3A_984 = tpu.vector_load %arg14[%get3A_982, %get3A_983] {strides = array<i32>} : memref<512x64xf32, #tpu.memory_space<vmem>>, vector<16xf32>,
      %sub3A_985 = arith.subf %get3A_981, %get3A_984 : vector<16xf32>
      %mul3A_986 = arith.mulf %get3A_978, %sub3A_985 : vector<16xf32>
      %add3A_987 = arith.addf %broadcast_in_dim3A_975, %mul3A_986 : vector<16xf32>
      %get3A_988 = arith.index_cast %add3A_973 : i32 to index
      %get3A_989 = arith.constant 16 : index
      %get3A_990 = tpu.vector_load %arg12[%get3A_988, %get3A_989] {strides = array<i32>} : memref<512x64xf32, #tpu.memory_space<vmem>>, vector<16xf32>,
      %get3A_991 = arith.index_cast %add3A_973 : i32 to index
      %get3A_992 = arith.constant 16 : index
      %get3A_993 = tpu.vector_load %arg13[%get3A_991, %get3A_992] {strides = array<i32>} : memref<512x64xf32, #tpu.memory_space<vmem>>, vector<16xf32>,
      %get3A_994 = arith.index_cast %add3A_973 : i32 to index
      %get3A_995 = arith.constant 16 : index
      %get3A_996 = tpu.vector_load %arg14[%get3A_994, %get3A_995] {strides = array<i32>} : memref<512x64xf32, #tpu.memory_space<vmem>>, vector<16xf32>,
      %sub3A_997 = arith.subf %get3A_993, %get3A_996 : vector<16xf32>
      %mul3A_998 = arith.mulf %get3A_990, %sub3A_997 : vector<16xf32>
      %add3A_999 = arith.addf %add3A_987, %mul3A_998 : vector<16xf32>
      %get3A_1000 = arith.index_cast %add3A_973 : i32 to index
      %get3A_1001 = arith.constant 32 : index
      %get3A_1002 = tpu.vector_load %arg12[%get3A_1000, %get3A_1001] {strides = array<i32>} : memref<512x64xf32, #tpu.memory_space<vmem>>, vector<16xf32>,
      %get3A_1003 = arith.index_cast %add3A_973 : i32 to index
      %get3A_1004 = arith.constant 32 : index
      %get3A_1005 = tpu.vector_load %arg13[%get3A_1003, %get3A_1004] {strides = array<i32>} : memref<512x64xf32, #tpu.memory_space<vmem>>, vector<16xf32>,
      %get3A_1006 = arith.index_cast %add3A_973 : i32 to index
      %get3A_1007 = arith.constant 32 : index
      %get3A_1008 = tpu.vector_load %arg14[%get3A_1006, %get3A_1007] {strides = array<i32>} : memref<512x64xf32, #tpu.memory_space<vmem>>, vector<16xf32>,
      %sub3A_1009 = arith.subf %get3A_1005, %get3A_1008 : vector<16xf32>
      %mul3A_1010 = arith.mulf %get3A_1002, %sub3A_1009 : vector<16xf32>
      %add3A_1011 = arith.addf %add3A_999, %mul3A_1010 : vector<16xf32>
      %get3A_1012 = arith.index_cast %add3A_973 : i32 to index
      %get3A_1013 = arith.constant 48 : index
      %get3A_1014 = tpu.vector_load %arg12[%get3A_1012, %get3A_1013] {strides = array<i32>} : memref<512x64xf32, #tpu.memory_space<vmem>>, vector<16xf32>,
      %get3A_1015 = arith.index_cast %add3A_973 : i32 to index
      %get3A_1016 = arith.constant 48 : index
      %get3A_1017 = tpu.vector_load %arg13[%get3A_1015, %get3A_1016] {strides = array<i32>} : memref<512x64xf32, #tpu.memory_space<vmem>>, vector<16xf32>,
      %get3A_1018 = arith.index_cast %add3A_973 : i32 to index
      %get3A_1019 = arith.constant 48 : index
      %get3A_1020 = tpu.vector_load %arg14[%get3A_1018, %get3A_1019] {strides = array<i32>} : memref<512x64xf32, #tpu.memory_space<vmem>>, vector<16xf32>,
      %sub3A_1021 = arith.subf %get3A_1017, %get3A_1020 : vector<16xf32>
      %mul3A_1022 = arith.mulf %get3A_1014, %sub3A_1021 : vector<16xf32>
      %add3A_1023 = arith.addf %add3A_1011, %mul3A_1022 : vector<16xf32>
      %eq3A_1024 = arith.constant 15 : i32
      %eq3A_1025 = vector.broadcast %eq3A_1024 : i32 to vector<16xi32>
      %eq3A_1026 = arith.cmpi eq, %iota3A, %eq3A_1025 : vector<16xi32>
      %reduce_sum3A_1027 = arith.constant true
      %reduce_sum3A_1028 = vector.broadcast %reduce_sum3A_1027 : i1 to vector<16xi1>
      %reduce_sum3A_1029 = tpu.scan <sum>, %add3A_1023 masked %reduce_sum3A_1028 : vector<16xf32>, vector<16xi1> -> vector<16xf32>
      %reduce_sum3A_1030 = vector.extract %reduce_sum3A_1029[15] : f32 from vector<16xf32>
      %broadcast_in_dim3A_1031 = vector.broadcast %reduce_sum3A_1030 : f32 to vector<16xf32>
      %select_n3A_1032 = arith.select %eq3A_1026, %broadcast_in_dim3A_1031, %select_n3A_969 : vector<16xi1>, vector<16xf32>
      %mul3A_1033 = arith.constant 16 : i32
      %mul3A_1034 = arith.muli %scan3A_28, %mul3A_1033 : i32
      %get3A_1035 = arith.index_cast %mul3A_1034 : i32 to index
      %get3A_1036 = tpu.vector_load %arg15[%get3A_1035] {strides = array<i32>} : memref<512xf32, #tpu.memory_space<vmem>>, vector<16xf32>,
      %add3A_1037 = arith.addf %select_n3A_1032, %get3A_1036 : vector<16xf32>
      %neg3A = arith.constant 0.000000e+00 : f32
      %neg3A_1038 = vector.broadcast %neg3A : f32 to vector<16xf32>
      %neg3A_1039 = arith.subf %neg3A_1038, %add3A_1037 : vector<16xf32>
      %exp3A = math.exp %neg3A_1039 : vector<16xf32>
      %add3A_1040 = arith.constant 1.000000e+00 : f32
      %add3A_1041 = vector.broadcast %add3A_1040 : f32 to vector<16xf32>
      %add3A_1042 = arith.addf %add3A_1041, %exp3A : vector<16xf32>
      %div3A = arith.constant 1.000000e+00 : f32
      %div3A_1043 = vector.broadcast %div3A : f32 to vector<16xf32>
      %div3A_1044 = arith.divf %div3A_1043, %add3A_1042 : vector<16xf32>
      %mul3A_1045 = arith.constant 16 : i32
      %mul3A_1046 = arith.muli %scan3A_28, %mul3A_1045 : i32
      %swap3A = arith.index_cast %mul3A_1046 : i32 to index
      %swap3A_1047 = tpu.vector_load %arg16[%swap3A] {strides = array<i32>} : memref<512xf32, #tpu.memory_space<vmem>>, vector<16xf32>,
      tpu.vector_store %arg16[%swap3A], %div3A_1044 {strides = array<i32>} : memref<512xf32, #tpu.memory_space<vmem>>, vector<16xf32>,
    }
    %scan3A_27 = arith.constant 32 : i32
    "tpu.region"() ({
      %run_scoped3A = tpu.sem_alloc : memref<!tpu.dma_semaphore, #tpu.memory_space<semaphore_mem>>
      %dma_start3A_28 = tpu.memref_slice %arg8[%mul3A_2] : memref<16384xf32, #tpu.memory_space<hbm>> -> memref<512xf32, #tpu.memory_space<hbm>>
      %dma_start3A_29 = tpu.memref_slice %arg8[%mul3A_2] : memref<16384xf32, #tpu.memory_space<hbm>> -> memref<512xf32, #tpu.memory_space<hbm>>
      tpu.enqueue_dma source(%arg16 : memref<512xf32, #tpu.memory_space<vmem>>) target(%dma_start3A_29 : memref<512xf32, #tpu.memory_space<hbm>>) target_semaphore(%run_scoped3A : memref<!tpu.dma_semaphore, #tpu.memory_space<semaphore_mem>>)
      %dma_wait3A_30 = tpu.memref_slice %arg8[%mul3A_2] : memref<16384xf32, #tpu.memory_space<hbm>> -> memref<512xf32, #tpu.memory_space<hbm>>
      %dma_wait3A_31 = tpu.memref_slice %arg8[%mul3A_2] : memref<16384xf32, #tpu.memory_space<hbm>> -> memref<512xf32, #tpu.memory_space<hbm>>
      tpu.wait_dma2 semaphore(%run_scoped3A : memref<!tpu.dma_semaphore, #tpu.memory_space<semaphore_mem>>) src(%arg16 : memref<512xf32, #tpu.memory_space<vmem>>) dst(%dma_wait3A_31 : memref<512xf32, #tpu.memory_space<hbm>>)
      tpu.yield
    }) : () -> ()
    return
  }
}

</mosaic_0001>

<sc_bundles>
// kernel: kernel.3.cloned.1.call-start
scs
__scs_entry_jumppad:
0x0: {  	(pc) =	sbr.rel $0x88, $3  }
0x1: {  	(tag) =	ssettag $0x0;
	lr =	simm.s32 $0x1  }
0x2: {  	[smem:$0x3F9B] =	sst lr;
	_ =	strace $0xD0000000  }
0x3: {  	_ = 	snop  }
0x4: {  	_ = 	snop  }
0x5: {  	_ = 	snop  }
0x6: {  	_ = 	snop  }
0x7: {  	_ = 	snop  }
__scs_overlays_trampoline_lowered:
0x8: {  	[smem:$0x3FAA] =	sst s0  }
0x9: {  	[smem:$0x3FAB] =	sst s1  }
0xa: {  	[smem:$0x3FAC] =	sst s2  }
0xb: {  	[smem:$0x3FAD] =	sst s3  }
0xc: {  	[smem:$0x3FAE] =	sst s4  }
0xd: {  	[smem:$0x3FAF] =	sst s5  }
0xe: {  	[smem:$0x3FB0] =	sst s6  }
0xf: {  	[smem:$0x3FB1] =	sst s7  }
0x10: {  	[smem:$0x3FB2] =	sst s8  }
0x11: {  	[smem:$0x3FB3] =	sst s9;
	s0 =	simm.s32 @!p0 $0x0  }
0x12: {  	s1 =	sld [smem:$0x3F99];
	s0 =	simm.s32 @p0 $0x1  }
0x13: {  	[smem:$0x3FB4] =	sst s0;
	s0 =	simm.s32 @!p1 $0x0  }
0x14: {  	s2 =	sld [smem:$0x3F98];
	s0 =	simm.s32 @p1 $0x1  }
0x15: {  	[smem:$0x3FB5] =	sst s0;
	s0 =	simm.s32 @!p2 $0x0  }
0x16: {  	s3 =	sld [smem:$0x3FDB];
	s0 =	simm.s32 @p2 $0x1  }
0x17: {  	s4 =	simm.s32 $0x1BF5;
	[smem:$0x3FB7] =	sst s0  }
0x18: {  	s0 =	sld [smem:$0x3F9A];
	_ =	swait.ge [sflag:s4], $0x0  }
0x19: {  	s7 =	sld [smem:$0x3F9B]  }
0x1a: {  	s8 =	sadd.s32 $0xFFFFE003, lr  }
0x1b: {  	s9 =	sadd.s32 $0xFFFFFEF7, lr;
	s5 =	simm.s32 $0xFFFFFFFF;
	p2 =	slt.u32 s8, $0xFFFFF086  }
0x1c: {  	p1 =	slt.u32 s9, $0xF7A;
	s5 =	simm.s32 @!p2 $0x0  }
0x1d: {  	s5 =	simm.s32 @p1 $0x1;
	p0 =	seq.s32 s7, s2  }
0x1e: {  	s7 =	smul.u32 @!p0 $0xF7A, s2;
	p2 =	seq.s32 @!p0 s5, $0x0  }
0x1f: {  	s9 =	smul.u32 $0xF7A, s1;
	s8 =	simm.s32 @!p0 $0x1BF5;
	p2 =	por !p2, p0  }
0x20: {  	[sflag:s8] =	ssyncset.s32 @!p0 $0xFFFFF086;
	s6 =	sadd.s32 @!p0 s3, s7;
	s7 =	simm.s32 @!p0 $0x108  }
0x21: {  	s3 =	sadd.s32 s3, s9;
	s6 =	sadd.s32 @!p0 $0x88, s6;
	s7 =	simm.s32 @p2 $0x1082  }
0x22: {  	[simem:s7], [sflag:s8] =	dma.local @!p0 [hbm:s6], $0xF7A  }
0x23: {  	s9 =	sor.u32 $0xD0000000, s2;
	s6 =	simm.s32 $0x108;
	_ =	swait.ge @!p0 [sflag:s8], $0x0  }
0x24: {  	s3 =	sadd.s32 $0x88, s3;
	s6 =	simm.s32 @!p1 $0x1082;
	[sflag:s4] =	ssyncset.s32 $0xFFFFF086  }
0x25: {  	[simem:s6], [sflag:s4] =	dma.local [hbm:s3], $0xF7A  }
0x26: {  	[smem:$0x3F9B] =	sst s1;
	(tag) =	ssettag s2;
	_ =	strace s9  }
0x27: {  	s1 =	sld [smem:$0x3FAB]  }
0x28: {  	s2 =	sld [smem:$0x3FAC]  }
0x29: {  	s4 =	sld [smem:$0x3FAE]  }
0x2a: {  	p0 =	seq.s32 s5, $0x0;
	s5 =	sld [smem:$0x3FAF]  }
0x2b: {  	s6 =	sld [smem:$0x3FB0]  }
0x2c: {  	s7 =	sld [smem:$0x3FB1]  }
0x2d: {  	s3 =	simm.s32 $0x108;
	s8 =	sld [smem:$0x3FB2]  }
0x2e: {  	s3 =	simm.s32 @!p0 $0x1082;
	s9 =	sld [smem:$0x3FB3]  }
0x2f: {  	lr =	sadd.s32 s0, s3;
	s0 =	sld [smem:$0x3FAA]  }
0x30: {  	s3 =	sld [smem:$0x3FAD]  }
0x31: {  	[smem:$0x3FB6] =	sst s10  }
0x32: {  	s10 =	sld [smem:$0x3FB4];
	_ =	sdelay $0x3  }
0x33: {  	p0 =	seq.s32 s10, $0x1;
	s10 =	sld [smem:$0x3FB6];
	_ =	sdelay $0x3  }
0x34: {  	[smem:$0x3FB6] =	sst s10  }
0x35: {  	s10 =	sld [smem:$0x3FB5];
	_ =	sdelay $0x3  }
0x36: {  	p1 =	seq.s32 s10, $0x1;
	s10 =	sld [smem:$0x3FB6];
	_ =	sdelay $0x3  }
0x37: {  	[smem:$0x3FB6] =	sst s10  }
0x38: {  	s10 =	sld [smem:$0x3FB7]  }
0x39: {  	_ = 	snop;
	(pc) =	sbr.ind lr, $3  }
0x3a: {  	_ = 	snop  }
0x3b: {  	_ = 	snop  }
0x3c: {  	p2 =	seq.s32 s10, $0x1;
	s10 =	sld [smem:$0x3FB6]  }
0x3d: {  	_ =	shalt  }
0x3e: {  	_ =	shalt  }
0x3f: {  	_ =	shalt  }
0x40: {  	_ =	shalt  }
0x41: {  	_ =	shalt  }
0x42: {  	_ =	shalt  }
0x43: {  	_ =	shalt  }
0x44: {  	_ =	shalt  }
0x45: {  	_ =	shalt  }
0x46: {  	_ =	shalt  }
0x47: {  	_ =	shalt  }
0x48: {  	_ =	shalt  }
0x49: {  	_ =	shalt  }
0x4a: {  	_ =	shalt  }
0x4b: {  	_ =	shalt  }
0x4c: {  	_ =	shalt  }
0x4d: {  	_ =	shalt  }
0x4e: {  	_ =	shalt  }
0x4f: {  	_ =	shalt  }
0x50: {  	_ =	shalt  }
0x51: {  	_ =	shalt  }
0x52: {  	_ =	shalt  }
0x53: {  	_ =	shalt  }
0x54: {  	_ =	shalt  }
0x55: {  	_ =	shalt  }
0x56: {  	_ =	shalt  }
0x57: {  	_ =	shalt  }
0x58: {  	_ =	shalt  }
0x59: {  	_ =	shalt  }
0x5a: {  	_ =	shalt  }
0x5b: {  	_ =	shalt  }
0x5c: {  	_ =	shalt  }
0x5d: {  	_ =	shalt  }
0x5e: {  	_ =	shalt  }
0x5f: {  	_ =	shalt  }
0x60: {  	_ =	shalt  }
0x61: {  	_ =	shalt  }
0x62: {  	_ =	shalt  }
0x63: {  	_ =	shalt  }
0x64: {  	_ =	shalt  }
0x65: {  	_ =	shalt  }
0x66: {  	_ =	shalt  }
0x67: {  	_ =	shalt  }
0x68: {  	_ =	shalt  }
0x69: {  	_ =	shalt  }
0x6a: {  	_ =	shalt  }
0x6b: {  	_ =	shalt  }
0x6c: {  	_ =	shalt  }
0x6d: {  	_ =	shalt  }
0x6e: {  	_ =	shalt  }
0x6f: {  	_ =	shalt  }
0x70: {  	_ =	shalt  }
0x71: {  	_ =	shalt  }
0x72: {  	_ =	shalt  }
0x73: {  	_ =	shalt  }
0x74: {  	_ =	shalt  }
0x75: {  	_ =	shalt  }
0x76: {  	_ =	shalt  }
0x77: {  	_ =	shalt  }
0x78: {  	_ =	shalt  }
0x79: {  	_ =	shalt  }
0x7a: {  	_ =	shalt  }
0x7b: {  	_ =	shalt  }
0x7c: {  	_ =	shalt  }
0x7d: {  	_ =	shalt  }
0x7e: {  	_ =	shalt  }
0x7f: {  	_ =	shalt  }
0x80: {  	_ =	shalt  }
0x81: {  	_ =	shalt  }
0x82: {  	_ =	shalt  }
0x83: {  	_ =	shalt  }
0x84: {  	_ =	shalt  }
0x85: {  	_ =	shalt  }
0x86: {  	_ =	shalt  }
0x87: {  	_ =	shalt  }
.Lfunc_end0:
.L_simem_size_0:
called_computation_lowered:
.L_overlay_start_0:
0x88: {  	s2 =	sld [smem:$0x3FD9]  }
0x89: {  	s3 =	sld [smem:$0x3FFE];
	_ =	sdelay $0x1  }
0x8a: {  	s1 =	srdreg.scid  }
0x8b: {  	s0 =	sand.u32 $0x1, s1  }
0x8c: {  	s17 =	sshll.u32 s0, $0xA;
	s2 =	sadd.s32 s3, s2  }
0x8d: {  	s2 =	sadd.s32 s2, s17  }
0x8e: {  	[smem:$0x3FC2] =	sst s2  }
0x8f: {  	_ = 	snop  }
0x90: {  	s2 =	sld [smem:$0x3FC9]  }
0x91: {  	s18 =	sld [smem:$0x3FC8]  }
0x92: {  	s4 =	sld [smem:$0x3FC7]  }
0x93: {  	s5 =	sld [smem:$0x3FD0];
	(tm) =	ssettm $0x1  }
0x94: {  	s6 =	sld [smem:$0x3FFB];
	_ =	sdelay $0x3  }
0x95: {  	_ =	strace s6  }
0x96: {  	s6 =	sld [smem:$0x3FFC];
	_ =	sdelay $0x3  }
0x97: {  	_ =	strace s6  }
0x98: {  	s6 =	sld [smem:$0x3FFD];
	_ =	sdelay $0x3  }
0x99: {  	_ =	strace s6  }
0x9a: {  	_ =	strace $0x8FFFFFFF  }
0x9b: {  	s19 =	sld [smem:$0x3FDB];
	_ =	sdelay $0x1  }
0x9c: {  	s7 =	simm.s32 $_scs_section_size  }
0x9d: {  	s8 =	simm.s32 $_size__tile_overlayer_lowered;
	s9 =	simm.s32 $_tile_overlayer_lowered  }
0x9e: {  	s22 =	simm.s32 $0x1BFF;
	s21 =	sshll.u32 s9, $0x1;
	s6 =	sadd.s32 s7, s19  }
0x9f: {  	s10 =	simm.s32 $0x0;
	s20 =	sshll.u32 s8, $0x1;
	s8 =	sadd.s32 s21, s6  }
0xa0: {  	[timem:s10], [sflag:s22] =	dma.local [hbm:s8], s20  }
0xa1: {  	_ =	swait.ge [sflag:s22], s20  }
0xa2: {  	s7 =	ssub.s32 $0x0, s20;
	[sflag:s22] =	ssyncset.done $0x0  }
0xa3: {  	[sflag:s22] =	ssyncadd.s32 s7;
	_ =	sdelay $0x1  }
0xa4: {  	s23 =	simm.s32 $0x1B8B  }
0xa5: {  	_ =	swait.ge [sflag:s23], $0x1  }
0xa6: {  	[sflag:s23] =	ssyncset.done $0x0  }
0xa7: {  	s25 =	simm.s32 $0x1B8E;
	s24 =	sld [smem:$0x3FFE];
	[sflag:s23] =	ssyncadd.s32 $0xFFFFFFFF  }
0xa8: {  	s26 =	simm.s32 $execute0_lowered;
	[smem:$0x3FD2] =	sst s25  }
0xa9: {  	s8 =	sshll.u32 s26, $0x1;
	_ =	strace $0x80000046;
	[dreg:$0x1] =	wrdreg $0xFFFFFFFF  }
0xaa: {  	s28 =	simm.s32 $_size_execute0_lowered;
	s6 =	sadd.s32 s6, s8;
	[dreg:$0x0] =	wrdreg $0x0  }
0xab: {  	s8 =	sshll.u32 s28, $0x1;
	[dreg:$0x2] =	wrdreg s6  }
0xac: {  	[dreg:$0x3] =	wrdreg s8  }
0xad: {  	[dreg:$0x4] =	wrdreg $0xC0  }
0xae: {  	_ =	task [dreg:s10], $0x5FFFF  }
0xaf: {  	[dreg:$0x1] =	wrdreg $0xFFFFFFFF  }
0xb0: {  	[dreg:$0x0] =	wrdreg $0x60  }
0xb1: {  	[dreg:$0x2] =	wrdreg s2  }
0xb2: {  	[dreg:$0x3] =	wrdreg s18  }
0xb3: {  	[dreg:$0x4] =	wrdreg s4  }
0xb4: {  	[dreg:$0x5] =	wrdreg s24  }
0xb5: {  	[dreg:$0x6] =	wrdreg s5  }
0xb6: {  	[dreg:$0x7] =	wrdreg $0x9  }
0xb7: {  	_ =	task.clear_ibuf [dreg:s10], $0x8FFFF;
	_ =	strace $0x90000046  }
0xb8: {  	s29 =	simm.s32 $0x9;
	_ =	strace $0x80000048  }
0xb9: {  	_ =	swait.ge [sflag:s29], $0x1  }
0xba: {  	[sflag:s29] =	ssyncadd.s32 $0xFFFFFFFF  }
0xbb: {  	_ =	strace $0x90000048  }
0xbc: {  	_ =	sfence  }
0xbd: {  	s30 =	sld [smem:$0x0];
	_ =	sdelay $0x2  }
0xbe: {  	s31 =	sshll.u32 s1, $0xD;
	s1 =	sshrl.u32 s1, $0x2  }
0xbf: {  	s3 =	sand.u32 $0x4000, s31;
	s1 =	sadd.s32 s1, s30  }
0xc0: {  	s0 =	sor.u32 s3, s0;
	s1 =	sshll.u32 s1, $0x11  }
0xc1: {  	s0 =	sor.u32 s1, s0  }
0xc2: {  	s0 =	sadd.s32 $0x8F2B, s0  }
0xc3: {  	[sflag:s0] =	ssyncadd.remote.s32 $0x1  }
0xc4: {  	_ =	sfence.sel $0xFFFF  }
0xc5: {  	[dreg:$0x0] =	wrdreg $0xFFFFFFFF;
	(pc) =	sbr.abs _section_cstart, $3  }
0xc6: {  	[dreg:$0x1] =	wrdreg $0xFFFFFFFF  }
0xc7: {  	_ =	task.clear_ibuf [dreg:s10], $0x2FFFF;
	_ =	strace $0x9FFFFFFF  }
0xc8: {  	(tm) =	ssettm $0x7FFFFFFF  }
0xc9: {  	_ =	shalt  }
tec
execute0_lowered:
.L_overlay_start_1:
0x0: {  	(tag) =	ssettag $0x1  }
0x1: {  	s6 =	rddreg [dreg:$0x0]  }
0x2: {  	s7 =	rddreg [dreg:$0x1]  }
0x3: {  	s8 =	rddreg [dreg:$0x2]  }
0x4: {  	s5 =	rddreg [dreg:$0x3]  }
0x5: {  	s9 =	rddreg [dreg:$0x4]  }
0x6: {  	s0 =	rddreg [dreg:$0x5];
	s1 =	simm.s32 $0x0;
	s10 =	srdreg.scid  }
0x7: {  	s2 =	stileid.u32;
	s14 =	simm.s32 $0x600;
	s15 =	simm.s32 $0x8600  }
0x8: {  	s16 =	simm.s32 $0x10600;
	s17 =	simm.s32 $0x1;
	s18 =	simm.s32 $0x18800  }
0x9: {  	s19 =	simm.s32 $0x0;
	[smem:$0x7FF] =	sst s1;
	s3 =	sadd.s32 $0x16E3800, s5  }
0xa: {  	s4 =	sadd.s32 $0xF42600, s5;
	s10 =	sand.u32 $0x1, s10;
	s12 =	sshll.u32 s2, $0x7  }
0xb: {  	vm0 =	vmmov $0x1;
	vm1 =	vmmov $0x3;
	vm2 =	vmmov $0x7;
	s5 =	sadd.s32 $0x200, s5;
	s11 =	ssub.s32 $0x2, s10;
	s10 =	sshll.u32 s10, $0x6  }
0xc: {  	vm3 =	vmmov $0xf;
	vm4 =	vmmov $0x1f;
	vm5 =	vmmov $0x3f;
	_ =	strace $0x80000047;
	s13 =	sshrl.u32 s11, $0x1;
	s10 =	sor.u32 s10, s12  }
0xd: {  	vm6 =	vmmov $0x7f;
	vm7 =	vmmov $0xff;
	vm8 =	vmmov $0x1ff;
	s12 =	simm.s32 $0x200;
	s11 =	ssub.s32 s11, s13;
	s6 =	sadd.s32 s6, s10  }
0xe: {  	vm9 =	vmmov $0x3ff;
	vm10 =	vmmov $0x7ff;
	vm11 =	vmmov $0xfff;
	s7 =	sadd.s32 s7, s10;
	s8 =	sadd.s32 s8, s10;
	s9 =	sadd.s32 s9, s10  }
0xf: {  	vm12 =	vmmov $0x1fff;
	vm13 =	vmmov $0x3fff;
	vm14 =	vmmov $0x7fff;
	s13 =	simm.s32 $0x400;
	s10 =	smax.u32 s11, $0x1;
	s11 =	simm.s32 $0x2  }
.LBB2_1:
0x10: {  	[tilespmem:s1], [sflag:$0x2] =	stream.linear.gather [hbm4b:s6+s1], $0x200, $0x38;
	[tilespmem:$0x18A00] =	vst v63  }
0x11: {  	_ =	swait.ge [sflag:s11], $0x200  }
0x12: {  	[sflag:s11] =	ssyncset.done $0x0  }
0x13: {  	[sflag:s11] =	ssyncadd.s32 $0xFFFFFE00  }
0x14: {  	[tilespmem:s12], [sflag:$0x2] =	stream.linear.gather [hbm4b:s7+s1], $0x200, $0x38;
	[tilespmem:$0x18A00] =	vst v63  }
0x15: {  	_ =	swait.ge [sflag:s11], $0x200  }
0x16: {  	[sflag:s11] =	ssyncset.done $0x0  }
0x17: {  	[sflag:s11] =	ssyncadd.s32 $0xFFFFFE00  }
0x18: {  	[tilespmem:s13], [sflag:$0x2] =	stream.linear.gather [hbm4b:s8+s1], $0x200, $0x38;
	[tilespmem:$0x18A00] =	vst v63  }
0x19: {  	_ =	swait.ge [sflag:s11], $0x200  }
0x1a: {  	[sflag:s11] =	ssyncset.done $0x0  }
0x1b: {  	[sflag:s11] =	ssyncadd.s32 $0xFFFFFE00  }
0x1c: {  	[tilespmem:s14], [sflag:$0x1] =	stream.indirect.gather [hbm4b:s3+s12], $0x40, s1, s12, $0xb8;
	[tilespmem:$0x18A00] =	vst v63  }
0x1d: {  	_ = 	snop  }
0x1e: {  	[tilespmem:s15], [sflag:$0x1] =	stream.indirect.gather [hbm4b:s4+s12], $0x40, s12, s12, $0xb8;
	[tilespmem:$0x18A00] =	vst v63  }
0x1f: {  	_ = 	snop  }
0x20: {  	[tilespmem:s16], [sflag:$0x1] =	stream.indirect.gather [hbm4b:s4+s12], $0x40, s13, s12, $0xb8;
	[tilespmem:$0x18A00] =	vst v63  }
0x21: {  	s20 =	simm.s32 $0x18600  }
0x22: {  	[tilespmem:s20], [sflag:$0x1] =	stream.indirect.gather [hbm4b:s5+s12], $0x1, s1, s12, $0xb8;
	[tilespmem:$0x18A00] =	vst v63  }
0x23: {  	_ =	swait.ge [sflag:s17], $0x8000  }
0x24: {  	[sflag:s17] =	ssyncset.done $0x0  }
0x25: {  	[sflag:s17] =	ssyncadd.s32 $0xFFFF8000  }
0x26: {  	_ =	swait.ge [sflag:s17], $0x8000  }
0x27: {  	[sflag:s17] =	ssyncset.done $0x0  }
0x28: {  	[sflag:s17] =	ssyncadd.s32 $0xFFFF8000  }
0x29: {  	_ =	swait.ge [sflag:s17], $0x8000  }
0x2a: {  	[sflag:s17] =	ssyncset.done $0x0  }
0x2b: {  	[sflag:s17] =	ssyncadd.s32 $0xFFFF8000  }
0x2c: {  	_ =	swait.ge [sflag:s17], $0x200  }
0x2d: {  	[sflag:s17] =	ssyncset.done $0x0  }
0x2e: {  	s21 =	simm.s32 $0x0;
	[sflag:s17] =	ssyncadd.s32 $0xFFFFFE00  }
0x2f: {  	v0 =	vld [tilespmem:s21+$0x89F0];
	_ =	sdelay $0x4  }
0x30: {  	[tilespmem:$0x1FB90] =	vst v0;
	v0 =	vld [tilespmem:s21+$0x9B0];
	_ =	sdelay $0x4  }
0x31: {  	[tilespmem:$0x1F7A0] =	vst v0;
	v0 =	vld [tilespmem:s21+$0x9D0];
	_ =	sdelay $0x4  }
0x32: {  	[tilespmem:$0x1FB60] =	vst v0;
	v0 =	vld [tilespmem:s21+$0x89E0];
	_ =	sdelay $0x3  }
0x33: {  	v56 =	vld [tilespmem:s21+$0x89B0]  }
0x34: {  	[tilespmem:$0x1FB80] =	vst v0;
	v0 =	vld [tilespmem:s21+$0x9A0]  }
0x35: {  	v47 =	vld [tilespmem:s21+$0x109B0]  }
0x36: {  	v54 =	vld [tilespmem:s21+$0x109D0]  }
0x37: {  	v57 =	vld [tilespmem:s21+$0x89A0]  }
0x38: {  	v58 =	vld [tilespmem:s21+$0x109A0]  }
0x39: {  	[tilespmem:$0x1F790] =	vst v0;
	v0 =	vld [tilespmem:s21+$0x9C0]  }
0x3a: {  	v59 =	vld [tilespmem:s21+$0x89C0]  }
0x3b: {  	v60 =	vld [tilespmem:s21+$0x109C0]  }
0x3c: {  	v61 =	vld [tilespmem:s21+$0x8930]  }
0x3d: {  	v62 =	vld [tilespmem:s21+$0x10930]  }
0x3e: {  	[tilespmem:$0x1FB50] =	vst v0;
	v0 =	vld [tilespmem:s21+$0x89D0]  }
0x3f: {  	v63 =	vld [tilespmem:s21+$0x8960]  }
0x40: {  	v43 =	vld [tilespmem:s21+$0x10960]  }
0x41: {  	v18 =	vld [tilespmem:s21+$0x980]  }
0x42: {  	v2 =	vld [tilespmem:s21+$0x820]  }
0x43: {  	[tilespmem:$0x1F770] =	vst v0;
	v0 =	vld [tilespmem:s21+$0x930]  }
0x44: {  	v16 =	vld [tilespmem:s21+$0x8990]  }
0x45: {  	v15 =	vld [tilespmem:s21+$0x10990]  }
0x46: {  	v35 =	vld [tilespmem:s21+$0x88F0]  }
0x47: {  	[tilespmem:$0x1F900] =	vst v2;
	v2 =	vld [tilespmem:s21+$0x850]  }
0x48: {  	[tilespmem:$0x1F7D0] =	vst v0;
	v0 =	vld [tilespmem:s21+$0x8970]  }
0x49: {  	v33 =	vld [tilespmem:s21+$0x108F0]  }
0x4a: {  	v42 =	vld [tilespmem:s21+$0x8920]  }
0x4b: {  	v39 =	vld [tilespmem:s21+$0x10920]  }
0x4c: {  	[tilespmem:$0x1F840] =	vst v2;
	v2 =	vld [tilespmem:s21+$0x8860]  }
0x4d: {  	[tilespmem:$0x1FB30] =	vst v0;
	v0 =	vld [tilespmem:s21+$0x10970]  }
0x4e: {  	v41 =	vld [tilespmem:s21+$0x8950]  }
0x4f: {  	v38 =	vld [tilespmem:s21+$0x10950]  }
0x50: {  	v9 =	vld [tilespmem:s21+$0x8980]  }
0x51: {  	[tilespmem:$0x1F820] =	vst v2;
	v2 =	vld [tilespmem:s21+$0x880]  }
0x52: {  	[tilespmem:$0x1FB40] =	vst v0;
	v0 =	vld [tilespmem:s21+$0x990]  }
0x53: {  	v6 =	vld [tilespmem:s21+$0x10980]  }
0x54: {  	v40 =	vld [tilespmem:s21+$0x88E0]  }
0x55: {  	v37 =	vld [tilespmem:s21+$0x108E0]  }
0x56: {  	[tilespmem:$0x1FAD0] =	vst v2;
	v2 =	vld [tilespmem:s21+$0x8890]  }
0x57: {  	[tilespmem:$0x1F780] =	vst v0;
	v0 =	vld [tilespmem:s21+$0x8F0]  }
0x58: {  	v14 =	vld [tilespmem:s21+$0x900]  }
0x59: {  	v13 =	vld [tilespmem:s21+$0x8910]  }
0x5a: {  	v12 =	vld [tilespmem:s21+$0x10910]  }
0x5b: {  	[tilespmem:$0x1F850] =	vst v2;
	v2 =	vld [tilespmem:s21+$0x10890]  }
0x5c: {  	[tilespmem:$0x1F830] =	vst v0;
	v0 =	vld [tilespmem:s21+$0x920]  }
0x5d: {  	v55 =	vld [tilespmem:s21+$0x8940]  }
0x5e: {  	v52 =	vld [tilespmem:s21+$0x10940]  }
0x5f: {  	v36 =	vld [tilespmem:s21+$0x8870]  }
0x60: {  	[tilespmem:$0x1F860] =	vst v2;
	v2 =	vld [tilespmem:s21+$0x7B0]  }
0x61: {  	[tilespmem:$0x1F7C0] =	vst v0;
	v0 =	vld [tilespmem:s21+$0x8E0]  }
0x62: {  	v7 =	vld [tilespmem:s21+$0x760]  }
0x63: {  	v34 =	vld [tilespmem:s21+$0x10870]  }
0x64: {  	v22 =	vld [tilespmem:s21+$0x8C0]  }
0x65: {  	[tilespmem:$0x1F9F0] =	vst v2;
	v2 =	vld [tilespmem:s21+$0x7E0]  }
0x66: {  	[tilespmem:$0x1F810] =	vst v0;
	v0 =	vld [tilespmem:s21+$0x910]  }
0x67: {  	[tilespmem:$0x1FA20] =	vst v7;
	v7 =	vld [tilespmem:s21+$0x8770]  }
0x68: {  	v23 =	vld [tilespmem:s21+$0x88D0]  }
0x69: {  	v21 =	vld [tilespmem:s21+$0x108D0]  }
0x6a: {  	[tilespmem:$0x1FAE0] =	vst v2;
	v2 =	vld [tilespmem:s21+$0x87F0]  }
0x6b: {  	[tilespmem:$0x1F7B0] =	vst v0;
	v0 =	vld [tilespmem:s21+$0x940]  }
0x6c: {  	[tilespmem:$0x1F8F0] =	vst v7;
	v7 =	vld [tilespmem:s21+$0x790]  }
0x6d: {  	v1 =	vld [tilespmem:s21+$0x8900]  }
0x6e: {  	v50 =	vld [tilespmem:s21+$0x8830]  }
0x6f: {  	[tilespmem:$0x1FAF0] =	vst v2;
	v2 =	vld [tilespmem:s21+$0x810]  }
0x70: {  	[tilespmem:$0x1FB00] =	vst v0;
	v0 =	vld [tilespmem:s21+$0x870]  }
0x71: {  	[tilespmem:$0x1F940] =	vst v7;
	v7 =	vld [tilespmem:s21+$0x87A0]  }
0x72: {  	v45 =	vld [tilespmem:s21+$0x10830]  }
0x73: {  	v46 =	vld [tilespmem:s21+$0x10860]  }
0x74: {  	[tilespmem:$0x1F8E0] =	vst v2;
	v2 =	vld [tilespmem:s21+$0x8820]  }
0x75: {  	[tilespmem:$0x1F8B0] =	vst v0;
	v0 =	vld [tilespmem:s21+$0x8A0]  }
0x76: {  	[tilespmem:$0x1F910] =	vst v7;
	v7 =	vld [tilespmem:s21+$0x107A0]  }
0x77: {  	v5 =	vld [tilespmem:s21+$0x88C0]  }
0x78: {  	v4 =	vld [tilespmem:s21+$0x108C0]  }
0x79: {  	[tilespmem:$0x1F870] =	vst v2;
	v2 =	vld [tilespmem:s21+$0x8880]  }
0x7a: {  	[tilespmem:$0x1FB10] =	vst v0;
	v0 =	vld [tilespmem:s21+$0x88B0]  }
0x7b: {  	[tilespmem:$0x1F920] =	vst v7;
	v7 =	vld [tilespmem:s21+$0x7C0]  }
0x7c: {  	v51 =	vld [tilespmem:s21+$0x10820]  }
0x7d: {  	v20 =	vld [tilespmem:s21+$0x840]  }
0x7e: {  	[tilespmem:$0x1F890] =	vst v2;
	v2 =	vld [tilespmem:s21+$0x10880]  }
0x7f: {  	[tilespmem:$0x1FB20] =	vst v0;
	v0 =	vld [tilespmem:s21+$0x8D0]  }
0x80: {  	[tilespmem:$0x1FAA0] =	vst v7;
	v7 =	vld [tilespmem:s21+$0x87D0]  }
0x81: {  	v19 =	vld [tilespmem:s21+$0x8850]  }
0x82: {  	v17 =	vld [tilespmem:s21+$0x10850]  }
0x83: {  	[tilespmem:$0x1F8A0] =	vst v2;
	v2 =	vld [tilespmem:s21+$0x770]  }
0x84: {  	[tilespmem:$0x1F7E0] =	vst v0;
	v0 =	vld [tilespmem:s21+$0x830]  }
0x85: {  	[tilespmem:$0x1F950] =	vst v7;
	v7 =	vld [tilespmem:s21+$0x107D0]  }
0x86: {  	v48 =	vld [tilespmem:s21+$0x87B0]  }
0x87: {  	v44 =	vld [tilespmem:s21+$0x107B0]  }
0x88: {  	[tilespmem:$0x1FA40] =	vst v2;
	v2 =	vld [tilespmem:s21+$0x7A0]  }
0x89: {  	[tilespmem:$0x1F930] =	vst v0;
	v0 =	vld [tilespmem:s21+$0x860]  }
0x8a: {  	[tilespmem:$0x1F960] =	vst v7;
	v7 =	vld [tilespmem:s21+$0x6F0]  }
0x8b: {  	v32 =	vld [tilespmem:s21+$0x800]  }
0x8c: {  	v31 =	vld [tilespmem:s21+$0x8810]  }
0x8d: {  	[tilespmem:$0x1F990] =	vst v2;
	v2 =	vld [tilespmem:s21+$0x87E0]  }
0x8e: {  	[tilespmem:$0x1F880] =	vst v0;
	v0 =	vld [tilespmem:s21+$0x88A0]  }
0x8f: {  	[tilespmem:$0x1FA50] =	vst v7;
	v7 =	vld [tilespmem:s21+$0x720]  }
0x90: {  	v30 =	vld [tilespmem:s21+$0x10810]  }
0x91: {  	v3 =	vld [tilespmem:s21+$0x8840]  }
0x92: {  	[tilespmem:$0x1F8C0] =	vst v2;
	v2 =	vld [tilespmem:s21+$0x107E0]  }
0x93: {  	[tilespmem:$0x1F7F0] =	vst v0;
	v0 =	vld [tilespmem:s21+$0x108A0]  }
0x94: {  	[tilespmem:$0x1FAB0] =	vst v7;
	v7 =	vld [tilespmem:s21+$0x8730]  }
0x95: {  	v49 =	vld [tilespmem:s21+$0x10770]  }
0x96: {  	v11 =	vld [tilespmem:s21+$0x8800]  }
0x97: {  	v10 =	vld [tilespmem:s21+$0x10800];
	[tilespmem:$0x1F8D0] =	vst v2  }
0x98: {  	v2 =	vld [tilespmem:s21+$0x10840];
	[tilespmem:$0x1F800] =	vst v0  }
0x99: {  	v0 =	vld [tilespmem:s21+$0x10900];
	[tilespmem:$0x1FAC0] =	vst v7  }
0x9a: {  	v7 =	vld [tilespmem:s21+$0x750]  }
0x9b: {  	v27 =	vld [tilespmem:s21+$0x780]  }
0x9c: {  	v26 =	vld [tilespmem:s21+$0x8790]  }
0x9d: {  	v24 =	vld [tilespmem:s21+$0x10790]  }
0x9e: {  	v29 =	vld [tilespmem:s21+$0x740]  }
0x9f: {  	v28 =	vld [tilespmem:s21+$0x8750]  }
0xa0: {  	v25 =	vld [tilespmem:s21+$0x10750]  }
0xa1: {  	v8 =	vld [tilespmem:s21+$0x8780]  }
0xa2: {  	v53 =	vld [tilespmem:s21+$0x630]  }
0xa3: {  	v6 =	vsub.f32 v9, v6;
	v9 =	vld [tilespmem:s21+$0x106B0]  }
0xa4: {  	v56 =	vsub.f32 v56, v47;
	v47 =	vld [tilespmem:s21+$0x6D0]  }
0xa5: {  	v6 =	vmul.f32 v6, v18;
	v18 =	vsub.f32 v16, v15;
	v15 =	vld [tilespmem:$0x1F770]  }
0xa6: {  	v57 =	vsub.f32 v57, v58;
	v58 =	vld [tilespmem:s21+$0x106E0]  }
0xa7: {  	v61 =	vsub.f32 v61, v62;
	v62 =	vld [tilespmem:$0x1F780]  }
0xa8: {  	v33 =	vsub.f32 v35, v33;
	v35 =	vld [tilespmem:s21+$0x10710]  }
0xa9: {  	v12 =	vsub.f32 v13, v12;
	v13 =	vsub.f32 v42, v39;
	v39 =	vld [tilespmem:s21+$0x8740]  }
0xaa: {  	v21 =	vsub.f32 v23, v21;
	v23 =	vsub.f32 v36, v34;
	v36 =	vld [tilespmem:s21+$0x690]  }
0xab: {  	v3 =	vsub.f32 v3, v2;
	v2 =	vld [tilespmem:$0x1F7F0]  }
0xac: {  	v37 =	vsub.f32 v40, v37;
	v40 =	vld [tilespmem:s21+$0x86A0]  }
0xad: {  	v34 =	vld [tilespmem:s21+$0x106A0]  }
0xae: {  	v20 =	vmul.f32 v3, v20;
	v3 =	vsub.f32 v19, v17;
	v17 =	vld [tilespmem:s21+$0x6C0]  }
0xaf: {  	v10 =	vsub.f32 v11, v10;
	v19 =	vld [tilespmem:$0x1F820]  }
0xb0: {  	v42 =	vld [tilespmem:s21+$0x106D0]  }
0xb1: {  	v32 =	vmul.f32 v10, v32;
	v10 =	vld [tilespmem:$0x1F8A0]  }
0xb2: {  	v30 =	vsub.f32 v31, v30;
	v31 =	vld [tilespmem:s21+$0x610]  }
0xb3: {  	v16 =	vsub.f32 v59, v60;
	v59 =	vld [tilespmem:$0x1F900]  }
0xb4: {  	v50 =	vsub.f32 v50, v45;
	v45 =	vld [tilespmem:s21+$0x680]  }
0xb5: {  	v44 =	vsub.f32 v48, v44;
	v48 =	vld [tilespmem:s21+$0x86C0]  }
0xb6: {  	v0 =	vsub.f32 v1, v0;
	v1 =	vsub.f32 v63, v43;
	v43 =	vld [tilespmem:s21+$0x8710]  }
0xb7: {  	v63 =	vld [tilespmem:$0x1F800]  }
0xb8: {  	[tilespmem:$0x1F9A0] =	vst v7;
	v7 =	vld [tilespmem:s21+$0x8760]  }
0xb9: {  	[tilespmem:$0x1FA90] =	vst v53;
	v53 =	vld [tilespmem:s21+$0x6A0]  }
0xba: {  	v15 =	vsub.f32 v15, v54;
	v54 =	vld [tilespmem:s21+$0x700]  }
0xbb: {  	v18 =	vmul.f32 v18, v62;
	v62 =	vld [tilespmem:$0x1F7E0]  }
0xbc: {  	v19 =	vsub.f32 v19, v46;
	v46 =	vld [tilespmem:s21+$0x10620]  }
0xbd: {  	v24 =	vsub.f32 v26, v24;
	v26 =	vld [tilespmem:$0x1F910]  }
0xbe: {  	v14 =	vmul.f32 v0, v14;
	v0 =	vsub.f32 v41, v38;
	v38 =	vld [tilespmem:s21+$0x10740]  }
0xbf: {  	v6 =	vadd.f32 $0.0e+00, v6;
	[tilespmem:$0x1FB70] =	vst v15;
	v15 =	vld [tilespmem:s21+$0x86E0]  }
0xc0: {  	[tilespmem:$0x1F970] =	vst v7;
	v7 =	vld [tilespmem:s21+$0x10760]  }
0xc1: {  	v6 =	vadd.f32 v18, v6;
	v18 =	vld [tilespmem:$0x1F790]  }
0xc2: {  	v2 =	vsub.f32 v2, v63;
	v63 =	vld [tilespmem:$0x1F960]  }
0xc3: {  	[tilespmem:$0x1FA80] =	vst v53;
	v53 =	vld [tilespmem:s21+$0x86B0]  }
0xc4: {  	v21 =	vmul.f32 v21, v62;
	v62 =	vld [tilespmem:$0x1F950]  }
0xc5: {  	[tilespmem:$0x1F980] =	vst v7;
	v7 =	vld [tilespmem:s21+$0x87C0]  }
0xc6: {  	v18 =	vmul.f32 v57, v18;
	v57 =	vsub.f32 v5, v4;
	v4 =	vld [tilespmem:$0x1F7B0]  }
0xc7: {  	v5 =	vld [tilespmem:$0x1F7C0]  }
0xc8: {  	v15 =	vsub.f32 v15, v58;
	v58 =	vld [tilespmem:s21+$0x8640]  }
0xc9: {  	v6 =	vadd.f32 v18, v6;
	v18 =	vld [tilespmem:$0x1F7A0]  }
0xca: {  	[tilespmem:$0x1F9B0] =	vst v7;
	v7 =	vld [tilespmem:s21+$0x107C0]  }
0xcb: {  	[tilespmem:$0x1FA30] =	vst v53;
	v53 =	vld [tilespmem:$0x1F860]  }
0xcc: {  	v38 =	vsub.f32 v39, v38;
	v39 =	vsub.f32 v62, v63;
	v62 =	vld [tilespmem:s21+$0x10680]  }
0xcd: {  	v63 =	vld [tilespmem:$0x1FA30]  }
0xce: {  	v12 =	vmul.f32 v12, v4;
	v4 =	vld [tilespmem:s21+$0x620]  }
0xcf: {  	v14 =	vadd.f32 $0.0e+00, v14;
	[tilespmem:$0x1F9C0] =	vst v7;
	v7 =	vld [tilespmem:s21+$0x6B0]  }
0xd0: {  	v60 =	vmul.f32 v13, v5;
	v13 =	vld [tilespmem:s21+$0x660];
	v18 =	vmul.f32 v56, v18  }
0xd1: {  	v14 =	vadd.f32 v12, v14;
	v12 =	vld [tilespmem:$0x1F7D0]  }
0xd2: {  	v56 =	vld [tilespmem:$0x1F8D0];
	v5 =	vadd.f32 v18, v6;
	v6 =	vmul.f32 v57, v22  }
0xd3: {  	v18 =	vld [tilespmem:s21+$0x8630]  }
0xd4: {  	v6 =	vadd.f32 $0.0e+00, v6;
	[tilespmem:$0x1FA60] =	vst v7;
	v7 =	vld [tilespmem:s21+$0x6E0]  }
0xd5: {  	v22 =	vld [tilespmem:s21+$0x10630]  }
0xd6: {  	v6 =	vadd.f32 v21, v6;
	v21 =	vld [tilespmem:$0x1F810]  }
0xd7: {  	v61 =	vmul.f32 v61, v12;
	v12 =	vsub.f32 v55, v52;
	v52 =	vld [tilespmem:$0x1F840]  }
0xd8: {  	v57 =	vld [tilespmem:$0x1F8E0]  }
0xd9: {  	[tilespmem:$0x1FA70] =	vst v7;
	v7 =	vld [tilespmem:s21+$0x86F0]  }
0xda: {  	v14 =	vadd.f32 v60, v14;
	v60 =	vld [tilespmem:$0x1F930]  }
0xdb: {  	v9 =	vsub.f32 v63, v9;
	v63 =	vld [tilespmem:s21+$0x10660];
	v21 =	vmul.f32 v37, v21  }
0xdc: {  	v41 =	vmul.f32 v3, v52;
	v3 =	vld [tilespmem:$0x1F850]  }
0xdd: {  	v6 =	vadd.f32 v21, v6;
	v21 =	vld [tilespmem:$0x1F830]  }
0xde: {  	[tilespmem:$0x1F9D0] =	vst v7;
	v7 =	vld [tilespmem:s21+$0x106F0]  }
0xdf: {  	v52 =	vld [tilespmem:$0x1F9A0]  }
0xe0: {  	v20 =	vadd.f32 $0.0e+00, v20;
	v14 =	vadd.f32 v61, v14;
	v61 =	vld [tilespmem:$0x1F940]  }
0xe1: {  	v37 =	vld [tilespmem:s21+$0x10690]  }
0xe2: {  	v25 =	vsub.f32 v28, v25;
	v29 =	vmul.f32 v38, v29;
	v20 =	vadd.f32 v41, v20;
	v41 =	vld [tilespmem:s21+$0x10700]  }
0xe3: {  	v21 =	vmul.f32 v33, v21;
	[tilespmem:$0x1F9E0] =	vst v7;
	v7 =	vld [tilespmem:s21+$0x8720]  }
0xe4: {  	v29 =	vadd.f32 $0.0e+00, v29;
	v3 =	vsub.f32 v3, v53;
	v25 =	vmul.f32 v25, v52;
	v53 =	vld [tilespmem:$0x1F9B0]  }
0xe5: {  	v11 =	vadd.f32 v21, v6;
	v6 =	vld [tilespmem:$0x1F870]  }
0xe6: {  	v25 =	vadd.f32 v25, v29;
	v29 =	vld [tilespmem:$0x1FA20]  }
0xe7: {  	v33 =	vld [tilespmem:s21+$0x86D0]  }
0xe8: {  	[tilespmem:$0x1FA00] =	vst v7;
	v7 =	vld [tilespmem:s21+$0x10720]  }
0xe9: {  	v21 =	vld [tilespmem:s21+$0x8700]  }
0xea: {  	v32 =	vadd.f32 $0.0e+00, v32;
	v30 =	vmul.f32 v30, v57;
	v55 =	vsub.f32 v6, v51;
	v6 =	vld [tilespmem:$0x1F880]  }
0xeb: {  	v51 =	vld [tilespmem:$0x1F980]  }
0xec: {  	v30 =	vadd.f32 v30, v32;
	v32 =	vmul.f32 v55, v59;
	v55 =	vld [tilespmem:$0x1F9C0]  }
0xed: {  	[tilespmem:$0x1FA10] =	vst v7;
	v7 =	vld [tilespmem:s21+$0x10780]  }
0xee: {  	v57 =	vld [tilespmem:$0x1F9E0]  }
0xef: {  	v19 =	vmul.f32 v19, v6;
	v6 =	vld [tilespmem:$0x1F890]  }
0xf0: {  	v59 =	vld [tilespmem:s21+$0x8680];
	v30 =	vadd.f32 v32, v30;
	v32 =	vmul.f32 v50, v60  }
0xf1: {  	v50 =	vld [tilespmem:$0x1F970]  }
0xf2: {  	v28 =	vadd.f32 v32, v30;
	v30 =	vld [tilespmem:s21+$0x106C0];
	v7 =	vsub.f32 v8, v7  }
0xf3: {  	v60 =	vld [tilespmem:$0x1FA00]  }
0xf4: {  	v6 =	vsub.f32 v6, v10;
	v10 =	vld [tilespmem:$0x1F8B0];
	v7 =	vmul.f32 v7, v27  }
0xf5: {  	v18 =	vsub.f32 v18, v22;
	v22 =	vsub.f32 v59, v62;
	v62 =	vld [tilespmem:$0x1FA70]  }
0xf6: {  	v24 =	vmul.f32 v24, v61;
	v32 =	vsub.f32 v50, v51;
	v27 =	vld [tilespmem:$0x1F920];
	v7 =	vadd.f32 $0.0e+00, v7  }
0xf7: {  	v61 =	vld [tilespmem:$0x1FA10]  }
0xf8: {  	v29 =	vmul.f32 v32, v29;
	v7 =	vadd.f32 v24, v7;
	v24 =	vld [tilespmem:$0x1F990]  }
0xf9: {  	v19 =	vadd.f32 v19, v20;
	v20 =	vmul.f32 v23, v10;
	v10 =	vld [tilespmem:$0x1F8C0]  }
0xfa: {  	v25 =	vadd.f32 v29, v25;
	v29 =	vld [tilespmem:$0x1FA40]  }
0xfb: {  	v23 =	vld [tilespmem:s21+$0x8620];
	v26 =	vsub.f32 v26, v27  }
0xfc: {  	v8 =	vadd.f32 v20, v19;
	v20 =	vld [tilespmem:$0x1F8F0]  }
0xfd: {  	v19 =	vld [tilespmem:s21+$0x8660];
	v24 =	vmul.f32 v26, v24  }
0xfe: {  	v10 =	vsub.f32 v10, v56;
	v56 =	vld [tilespmem:$0x1F9D0]  }
0xff: {  	v7 =	vadd.f32 v24, v7;
	v24 =	vld [tilespmem:$0x1F9F0]  }
0x100: {  	v51 =	vsub.f32 v60, v61;
	v60 =	vld [tilespmem:s21+$0x10640]  }
0x101: {  	v30 =	vsub.f32 v48, v30;
	v20 =	vsub.f32 v20, v49;
	v49 =	vld [tilespmem:s21+$0x8610]  }
0x102: {  	v27 =	vld [tilespmem:s21+$0x8690]  }
0x103: {  	v17 =	vmul.f32 v30, v17;
	v20 =	vmul.f32 v20, v29;
	v29 =	vld [tilespmem:s21+$0x8600]  }
0x104: {  	v30 =	vsub.f32 v33, v42;
	v50 =	vsub.f32 v56, v57;
	v56 =	vld [tilespmem:s21+$0x10600];
	v24 =	vmul.f32 v44, v24  }
0x105: {  	v26 =	vld [tilespmem:s21+$0x600]  }
0x106: {  	v30 =	vmul.f32 v30, v47;
	v17 =	vadd.f32 $0.0e+00, v17;
	v7 =	vadd.f32 v24, v7;
	v24 =	vld [tilespmem:s21+$0x10610]  }
0x107: {  	v35 =	vsub.f32 v43, v35;
	(xrf2) =	vadd.scan.msk.f32 $0xffff, v5;
	v21 =	vsub.f32 v21, v41;
	v61 =	vld [tilespmem:s21+$0x8650]  }
0x108: {  	(xrf2) =	vadd.scan.msk.f32 $0xffff, v14;
	v38 =	vsub.f32 v53, v55;
	v17 =	vadd.f32 v30, v17;
	v30 =	vld [tilespmem:s21+$0x10650]  }
0x109: {  	(xrf2) =	vadd.scan.msk.f32 $0xffff, v11;
	v20 =	vadd.f32 v20, v25;
	v25 =	vld [tilespmem:s21+$0x640];
	v29 =	vsub.f32 v29, v56  }
0x10a: {  	v59 =	vsub.f32 v40, v34;
	v15 =	vmul.f32 v15, v62;
	(xrf2) =	vadd.scan.msk.f32 $0xffff, v8;
	v8 =	vld [tilespmem:$0x1FA90];
	v27 =	vsub.f32 v27, v37  }
0x10b: {  	v22 =	vmul.f32 v22, v45;
	v26 =	vmul.f32 v29, v26;
	v29 =	vld [tilespmem:s21+$0x650];
	v24 =	vsub.f32 v49, v24  }
0x10c: {  	v15 =	vadd.f32 v15, v17;
	v17 =	vsub.f32 v58, v60;
	v27 =	vmul.f32 v27, v36;
	v36 =	vld [tilespmem:s21+$0x8670]  }
0x10d: {  	v23 =	vsub.f32 v23, v46;
	v26 =	vadd.f32 $0.0e+00, v26;
	v24 =	vmul.f32 v24, v31;
	v31 =	vld [tilespmem:s21+$0x10670]  }
0x10e: {  	v22 =	vadd.f32 $0.0e+00, v22;
	v5 =	vmul.f32 v17, v25;
	v17 =	vsub.f32 v61, v30;
	v25 =	vld [tilespmem:s21+$0x710]  }
0x10f: {  	v4 =	vmul.f32 v23, v4;
	v19 =	vsub.f32 v19, v63;
	v23 =	vld [tilespmem:s21+$0x670];
	v14 =	vadd.f32 v24, v26  }
0x110: {  	v22 =	vadd.f32 v27, v22;
	v27 =	vld [tilespmem:$0x1FA80];
	v5 =	vadd.f32 $0.0e+00, v5;
	v11 =	vmul.f32 v17, v29  }
0x111: {  	v55 =	vld [tilespmem:$0x1FA50];
	v8 =	vmul.f32 v18, v8;
	v4 =	vadd.f32 v4, v14;
	v14 =	vmul.f32 v21, v54  }
0x112: {  	(xrf2) =	vadd.scan.msk.f32 $0xffff, v28;
	v57 =	vld [tilespmem:$0x1FA60];
	v5 =	vadd.f32 v11, v5;
	v11 =	vmul.f32 v19, v13;
	v13 =	vsub.f32 v36, v31  }
0x113: {  	(xrf2) =	vadd.scan.msk.f32 $0xffff, v7;
	v4 =	vadd.f32 v8, v4;
	v7 =	vadd.f32 $0.0e+00, v14;
	v8 =	vmul.f32 v35, v25  }
0x114: {  	v5 =	vadd.f32 v11, v5;
	v11 =	vmul.f32 v13, v23;
	v13 =	vld [tilespmem:$0x1FAA0]  }
0x115: {  	v27 =	vmul.f32 v59, v27;
	v7 =	vadd.f32 v8, v7;
	v8 =	vld [tilespmem:$0x1FAB0]  }
0x116: {  	v18 =	vld [tilespmem:s21+$0x7D0];
	v48 =	vmul.f32 v50, v55  }
0x117: {  	v9 =	vmul.f32 v9, v57;
	v22 =	vadd.f32 v27, v22  }
0x118: {  	v15 =	vadd.f32 v48, v15  }
0x119: {  	(xrf2) =	vadd.scan.msk.f32 $0xffff, v20;
	v9 =	vadd.f32 v9, v22;
	v13 =	vmul.f32 v38, v13  }
0x11a: {  	(xrf2) =	vadd.scan.msk.f32 $0xffff, v15;
	v8 =	vmul.f32 v51, v8  }
0x11b: {  	v17 =	vld [tilespmem:s21+$0x10730];
	(xrf2) =	vadd.scan.msk.f32 $0xffff, v9;
	v5 =	vadd.f32 v11, v5;
	v11 =	vmul.f32 v39, v18;
	v9 =	vadd.f32 $0.0e+00, v13  }
0x11c: {  	(xrf2) =	vadd.scan.msk.f32 $0xffff, v4;
	v4 =	vadd.f32 v8, v7;
	v8 =	vld [tilespmem:$0x1FAD0]  }
0x11d: {  	v9 =	vadd.f32 v11, v9;
	v11 =	vld [tilespmem:$0x1FAE0]  }
0x11e: {  	v20 =	vld [tilespmem:s21+$0x890]  }
0x11f: {  	v15 =	vld [tilespmem:$0x1FAC0]  }
0x120: {  	v19 =	vld [tilespmem:s21+$0x730]  }
0x121: {  	v14 =	vld [tilespmem:s21+$0x107F0];
	v6 =	vmul.f32 v6, v8  }
0x122: {  	v10 =	vmul.f32 v10, v11;
	v11 =	vld [tilespmem:$0x1FAF0]  }
0x123: {  	v3 =	vmul.f32 v3, v20;
	v6 =	vadd.f32 $0.0e+00, v6  }
0x124: {  	v15 =	vsub.f32 v15, v17;
	v17 =	vld [tilespmem:s21+$0x7F0]  }
0x125: {  	v3 =	vadd.f32 v3, v6;
	v6 =	vld [tilespmem:$0x1FB10]  }
0x126: {  	v7 =	vmul.f32 v15, v19  }
0x127: {  	v13 =	vld [tilespmem:s21+$0x108B0];
	v11 =	vsub.f32 v11, v14  }
0x128: {  	v4 =	vadd.f32 v7, v4;
	v7 =	vld [tilespmem:s21+$0x960]  }
0x129: {  	v9 =	vadd.f32 v10, v9;
	v10 =	vmul.f32 v11, v17;
	v11 =	vld [tilespmem:$0x1FB00]  }
0x12a: {  	v2 =	vmul.f32 v2, v6;
	v6 =	vld [tilespmem:$0x1FB20]  }
0x12b: {  	v8 =	vld [tilespmem:s21+$0x950]  }
0x12c: {  	v14 =	vld [tilespmem:s21+$0x8B0];
	_ =	sdelay $0x2  }
0x12d: {  	v11 =	vmul.f32 v12, v11;
	v6 =	vsub.f32 v6, v13  }
0x12e: {  	v1 =	vmul.f32 v1, v7;
	v7 =	vld [tilespmem:$0x1FB50];
	v0 =	vmul.f32 v0, v8;
	v9 =	vadd.f32 v10, v9  }
0x12f: {  	v2 =	vadd.f32 v2, v3;
	v10 =	vadd.f32 $0.0e+00, v11;
	v3 =	vmul.f32 v6, v14;
	v6 =	vld [tilespmem:$0x1FB30]  }
0x130: {  	v14 =	vld [tilespmem:$0x1FB40]  }
0x131: {  	v15, _, _ =	vpop (xrf2);
	v0 =	vadd.f32 v0, v10;
	v10 =	vld [tilespmem:$0x1FB70]  }
0x132: {  	(xrf2) =	vadd.scan.msk.f32 $0xffff, v5;
	v5, _, _ =	vpop (xrf2);
	v2 =	vadd.f32 v3, v2;
	v3 =	vld [tilespmem:$0x1FB60]  }
0x133: {  	v18, _, _ =	vpop (xrf2)  }
0x134: {  	v17, _, _ =	vpop (xrf2);
	v13 =	vld [tilespmem:s21+$0x970]  }
0x135: {  	(xrf2) =	vadd.scan.msk.f32 $0xffff, v4;
	v4, _, _ =	vpop (xrf2)  }
0x136: {  	v7 =	vmul.f32 v16, v7;
	v12 =	vld [tilespmem:s21+$0x109E0];
	v11, _, _ =	vpop (xrf2)  }
0x137: {  	v19, _, _ =	vpop (xrf2);
	v6 =	vsub.f32 v6, v14;
	v3 =	vmul.f32 v10, v3;
	v10 =	vld [tilespmem:$0x1FB80]  }
0x138: {  	v8 =	vld [tilespmem:s21+$0x109F0];
	(xrf2) =	vadd.scan.msk.f32 $0xffff, v9;
	v9, _, _ =	vpop (xrf2)  }
0x139: {  	v0 =	vadd.f32 v1, v0;
	v16, _, _ =	vpop (xrf2);
	v14 =	vld [tilespmem:s21+$0x9E0];
	v1 =	vmul.f32 v6, v13;
	v6 =	vadd.f32 $0.0e+00, v7  }
0x13a: {  	v7, _, _ =	vpop (xrf2);
	v13 =	vld [tilespmem:$0x1FB90]  }
0x13b: {  	v0 =	vadd.f32 v1, v0;
	v1 =	vadd.f32 v3, v6;
	v6 =	vbroadcast v7, $0xF  }
0x13c: {  	v3, _, _ =	vpop (xrf2);
	v10 =	vsub.f32 v10, v12;
	v12 =	vld [tilespmem:s21+$0x9F0]  }
0x13d: {  	(xrf2) =	vadd.scan.msk.f32 $0xffff, v2;
	v3 =	vbroadcast v3, $0xF  }
0x13e: {  	v7 =	vbroadcast v16, $0xF  }
0x13f: {  	(xrf2) =	vadd.scan.msk.f32 $0xffff, v0;
	v8 =	vsub.f32 v13, v8;
	v2 =	vmul.f32 v10, v14;
	v0 =	vsel vm0, v6, v3;
	v6, _, _ =	vpop (xrf2)  }
0x140: {  	v3 =	vbroadcast v9, $0xF;
	v6 =	vbroadcast v6, $0xF  }
0x141: {  	v0 =	vsel vm1, v0, v7;
	v1 =	vadd.f32 v2, v1;
	v2 =	vmul.f32 v8, v12  }
0x142: {  	v0 =	vsel vm2, v0, v3  }
0x143: {  	v3 =	vbroadcast v11, $0xF;
	v1 =	vadd.f32 v2, v1;
	v2 =	vbroadcast v19, $0xF  }
0x144: {  	v0 =	vsel vm3, v0, v6;
	v6, _, _ =	vpop (xrf2)  }
0x145: {  	(xrf2) =	vadd.scan.msk.f32 $0xffff, v1;
	v0 =	vsel vm4, v0, v2;
	v1 =	vbroadcast v6, $0xF  }
0x146: {  	v2 =	vbroadcast v4, $0xF;
	v0 =	vsel vm5, v0, v3  }
0x147: {  	v3, _, _ =	vpop (xrf2);
	v0 =	vsel vm6, v0, v1;
	v1 =	vbroadcast v17, $0xF  }
0x148: {  	v0 =	vsel vm7, v0, v2;
	v2 =	vbroadcast v3, $0xF  }
0x149: {  	v0 =	vsel vm8, v0, v1;
	v1 =	vbroadcast v18, $0xF  }
0x14a: {  	v3, _, _ =	vpop (xrf2);
	v0 =	vsel vm9, v0, v2  }
0x14b: {  	v2 =	vbroadcast v5, $0xF;
	v0 =	vsel vm10, v0, v1;
	v1 =	vbroadcast v3, $0xF  }
0x14c: {  	v3 =	vld [tilespmem:s20+$0x0]  }
0x14d: {  	v0 =	vsel vm11, v0, v2;
	v2 =	vbroadcast v15, $0xF  }
0x14e: {  	v0 =	vsel vm12, v0, v1  }
0x14f: {  	v0 =	vsel vm13, v0, v2;
	v1, _, _ =	vpop (xrf2)  }
0x150: {  	v0 =	vsel vm14, v0, v1  }
0x151: {  	v0 =	vadd.f32 v0, v3;
	_ =	sdelay $0x1  }
0x152: {  	v0 =	vsub.f32 $0.0e+00, v0;
	_ =	sdelay $0x1  }
0x153: {  	v0 =	vmul.f32 $1.442695020e+00, v0;
	_ =	sdelay $0x1  }
0x154: {  	(erf) = vpow2.f32 v0;
	_ =	sdelay $0x8  }
0x155: {  	v0 =	vpop (erf)  }
0x156: {  	v0 =	vadd.f32 $1.000000000e+00, v0;
	_ =	sdelay $0x1  }
0x157: {  	(erf) = vrcp.f32 v0;
	_ =	sdelay $0x8  }
0x158: {  	v0 =	vpop (erf)  }
0x159: {  	s21 =	simm.s32 $0x400;
	[tilespmem:s18+$0x0] =	vst v0  }
0x15a: {  	v44 =	vld [tilespmem:s21+$0x89F0]  }
0x15b: {  	v0 =	vld [tilespmem:s21+$0x9B0]  }
0x15c: {  	v47 =	vld [tilespmem:s21+$0x9A0]  }
0x15d: {  	v27 =	vld [tilespmem:s21+$0x109B0]  }
0x15e: {  	v28 =	vld [tilespmem:s21+$0x109D0]  }
0x15f: {  	v33 =	vld [tilespmem:s21+$0x89A0]  }
0x160: {  	v36 =	vld [tilespmem:s21+$0x109A0]  }
0x161: {  	v37 =	vld [tilespmem:s21+$0x89C0]  }
0x162: {  	v38 =	vld [tilespmem:s21+$0x109C0]  }
0x163: {  	v39 =	vld [tilespmem:s21+$0x8930]  }
0x164: {  	v41 =	vld [tilespmem:s21+$0x10930]  }
0x165: {  	v49 =	vld [tilespmem:s21+$0x8960]  }
0x166: {  	v50 =	vld [tilespmem:s21+$0x10960]  }
0x167: {  	v46 =	vld [tilespmem:s21+$0x980]  }
0x168: {  	v51 =	vld [tilespmem:s21+$0x8990]  }
0x169: {  	[tilespmem:$0x1FD10] =	vst v0;
	v0 =	vld [tilespmem:s21+$0x9D0]  }
0x16a: {  	v52 =	vld [tilespmem:s21+$0x10990]  }
0x16b: {  	v53 =	vld [tilespmem:s21+$0x88F0]  }
0x16c: {  	v54 =	vld [tilespmem:s21+$0x108F0]  }
0x16d: {  	v55 =	vld [tilespmem:s21+$0x8920]  }
0x16e: {  	[tilespmem:$0x1FBA0] =	vst v0;
	v0 =	vld [tilespmem:s21+$0x89E0]  }
0x16f: {  	v56 =	vld [tilespmem:s21+$0x10920]  }
0x170: {  	v57 =	vld [tilespmem:s21+$0x8950]  }
0x171: {  	v58 =	vld [tilespmem:s21+$0x10950]  }
0x172: {  	v29 =	vld [tilespmem:s21+$0x8980]  }
0x173: {  	[tilespmem:$0x1FBB0] =	vst v0;
	v0 =	vld [tilespmem:s21+$0x89B0]  }
0x174: {  	v59 =	vld [tilespmem:s21+$0x10980]  }
0x175: {  	v60 =	vld [tilespmem:s21+$0x88E0]  }
0x176: {  	v61 =	vld [tilespmem:s21+$0x108E0]  }
0x177: {  	v62 =	vld [tilespmem:s21+$0x900]  }
0x178: {  	[tilespmem:$0x1FCB0] =	vst v0;
	v0 =	vld [tilespmem:s21+$0x9C0]  }
0x179: {  	v63 =	vld [tilespmem:s21+$0x8910]  }
0x17a: {  	v10 =	vld [tilespmem:s21+$0x10910]  }
0x17b: {  	v42 =	vld [tilespmem:s21+$0x10940]  }
0x17c: {  	v26 =	vld [tilespmem:s21+$0x8870]  }
0x17d: {  	[tilespmem:$0x1FBC0] =	vst v0;
	v0 =	vld [tilespmem:s21+$0x89D0]  }
0x17e: {  	v20 =	vld [tilespmem:s21+$0x10870]  }
0x17f: {  	v15 =	vld [tilespmem:s21+$0x8C0]  }
0x180: {  	v16 =	vld [tilespmem:s21+$0x88D0]  }
0x181: {  	v2 =	vld [tilespmem:s21+$0x820]  }
0x182: {  	[tilespmem:$0x1FCC0] =	vst v0;
	v0 =	vld [tilespmem:s21+$0x930]  }
0x183: {  	v14 =	vld [tilespmem:s21+$0x108D0]  }
0x184: {  	v1 =	vld [tilespmem:s21+$0x8900]  }
0x185: {  	v24 =	vld [tilespmem:s21+$0x8830]  }
0x186: {  	[tilespmem:$0x1FE80] =	vst v2;
	v2 =	vld [tilespmem:s21+$0x850]  }
0x187: {  	[tilespmem:$0x1FD40] =	vst v0;
	v0 =	vld [tilespmem:s21+$0x8970]  }
0x188: {  	v32 =	vld [tilespmem:s21+$0x10830]  }
0x189: {  	v40 =	vld [tilespmem:s21+$0x10860]  }
0x18a: {  	v5 =	vld [tilespmem:s21+$0x88C0]  }
0x18b: {  	[tilespmem:$0x1FDC0] =	vst v2;
	v2 =	vld [tilespmem:s21+$0x8860]  }
0x18c: {  	[tilespmem:$0x1FBD0] =	vst v0;
	v0 =	vld [tilespmem:s21+$0x10970]  }
0x18d: {  	v4 =	vld [tilespmem:s21+$0x108C0]  }
0x18e: {  	v43 =	vld [tilespmem:s21+$0x10820]  }
0x18f: {  	v13 =	vld [tilespmem:s21+$0x840]  }
0x190: {  	[tilespmem:$0x1FDA0] =	vst v2;
	v2 =	vld [tilespmem:s21+$0x880]  }
0x191: {  	[tilespmem:$0x1FBE0] =	vst v0;
	v0 =	vld [tilespmem:s21+$0x990]  }
0x192: {  	v12 =	vld [tilespmem:s21+$0x8850]  }
0x193: {  	v11 =	vld [tilespmem:s21+$0x10850]  }
0x194: {  	v48 =	vld [tilespmem:s21+$0x87B0]  }
0x195: {  	[tilespmem:$0x1FC20] =	vst v2;
	v2 =	vld [tilespmem:s21+$0x8890]  }
0x196: {  	[tilespmem:$0x1FCF0] =	vst v0;
	v0 =	vld [tilespmem:s21+$0x8F0]  }
0x197: {  	v35 =	vld [tilespmem:s21+$0x107B0]  }
0x198: {  	v30 =	vld [tilespmem:s21+$0x800]  }
0x199: {  	v31 =	vld [tilespmem:s21+$0x8810]  }
0x19a: {  	[tilespmem:$0x1FDD0] =	vst v2;
	v2 =	vld [tilespmem:s21+$0x10890]  }
0x19b: {  	[tilespmem:$0x1FDB0] =	vst v0;
	v0 =	vld [tilespmem:s21+$0x920]  }
0x19c: {  	v23 =	vld [tilespmem:s21+$0x10810]  }
0x19d: {  	v3 =	vld [tilespmem:s21+$0x8840]  }
0x19e: {  	v6 =	vld [tilespmem:s21+$0x760]  }
0x19f: {  	[tilespmem:$0x1FDE0] =	vst v2;
	v2 =	vld [tilespmem:s21+$0x7B0]  }
0x1a0: {  	[tilespmem:$0x1FD30] =	vst v0;
	v0 =	vld [tilespmem:s21+$0x8E0]  }
0x1a1: {  	v17 =	vld [tilespmem:s21+$0x10770]  }
0x1a2: {  	v9 =	vld [tilespmem:s21+$0x8800]  }
0x1a3: {  	v7 =	vld [tilespmem:s21+$0x6F0]  }
0x1a4: {  	[tilespmem:$0x1FF70] =	vst v2;
	v2 =	vld [tilespmem:s21+$0x7E0]  }
0x1a5: {  	[tilespmem:$0x1FD90] =	vst v0;
	v0 =	vld [tilespmem:s21+$0x910]  }
0x1a6: {  	v21 =	vld [tilespmem:s21+$0x780]  }
0x1a7: {  	v19 =	vld [tilespmem:s21+$0x8790]  }
0x1a8: {  	v18 =	vld [tilespmem:s21+$0x10790]  }
0x1a9: {  	[tilespmem:$0x1FC30] =	vst v2;
	v2 =	vld [tilespmem:s21+$0x87F0]  }
0x1aa: {  	[tilespmem:$0x1FD20] =	vst v0;
	v0 =	vld [tilespmem:s21+$0x940]  }
0x1ab: {  	v25 =	vld [tilespmem:s21+$0x740]  }
0x1ac: {  	v34 =	vld [tilespmem:s21+$0x8750]  }
0x1ad: {  	v22 =	vld [tilespmem:s21+$0x10750]  }
0x1ae: {  	[tilespmem:$0x1FC40] =	vst v2;
	v2 =	vld [tilespmem:s21+$0x810]  }
0x1af: {  	[tilespmem:$0x1FBF0] =	vst v0;
	v0 =	vld [tilespmem:s21+$0x870]  }
0x1b0: {  	v8 =	vld [tilespmem:s21+$0x8780]  }
0x1b1: {  	v45 =	vld [tilespmem:s21+$0x630]  }
0x1b2: {  	[tilespmem:$0x1FFA0] =	vst v6;
	v6 =	vld [tilespmem:s21+$0x8770]  }
0x1b3: {  	[tilespmem:$0x1FE60] =	vst v2;
	v2 =	vld [tilespmem:s21+$0x8820]  }
0x1b4: {  	[tilespmem:$0x1FE30] =	vst v0;
	v0 =	vld [tilespmem:s21+$0x8A0]  }
0x1b5: {  	[tilespmem:$0x1FFE0] =	vst v7;
	v7 =	vld [tilespmem:s21+$0x720]  }
0x1b6: {  	[tilespmem:$0x1FC90] =	vst v45;
	v45 =	vld [tilespmem:s21+$0x6A0]  }
0x1b7: {  	v59 =	vsub.f32 v29, v59;
	v29 =	vld [tilespmem:s21+$0x106B0]  }
0x1b8: {  	[tilespmem:$0x1FDF0] =	vst v2;
	v2 =	vld [tilespmem:s21+$0x8880]  }
0x1b9: {  	v38 =	vsub.f32 v37, v38;
	[tilespmem:$0x1FC00] =	vst v0;
	v0 =	vld [tilespmem:s21+$0x88B0]  }
0x1ba: {  	v51 =	vsub.f32 v51, v52;
	v52 =	vld [tilespmem:s21+$0x106E0]  }
0x1bb: {  	[tilespmem:$0x1FCE0] =	vst v38;
	v38 =	vld [tilespmem:s21+$0x610]  }
0x1bc: {  	[tilespmem:$0x1FE70] =	vst v6;
	v6 =	vld [tilespmem:s21+$0x790]  }
0x1bd: {  	[tilespmem:$0x1FE10] =	vst v2;
	v2 =	vld [tilespmem:s21+$0x10880]  }
0x1be: {  	[tilespmem:$0x1FC10] =	vst v0;
	v0 =	vld [tilespmem:s21+$0x8D0]  }
0x1bf: {  	[tilespmem:$0x1FFC0] =	vst v29;
	v29 =	vld [tilespmem:$0x1FCB0]  }
0x1c0: {  	[tilespmem:$0x1FC60] =	vst v7;
	v7 =	vld [tilespmem:s21+$0x8730]  }
0x1c1: {  	[tilespmem:$0x1FCA0] =	vst v45;
	v45 =	vld [tilespmem:s21+$0x86B0]  }
0x1c2: {  	[tilespmem:$0x1FE20] =	vst v2;
	v2 =	vld [tilespmem:s21+$0x770]  }
0x1c3: {  	[tilespmem:$0x1FD60] =	vst v0;
	v0 =	vld [tilespmem:s21+$0x8940]  }
0x1c4: {  	v27 =	vsub.f32 v29, v27;
	v29 =	vld [tilespmem:$0x1FCC0]  }
0x1c5: {  	[tilespmem:$0x1FC70] =	vst v7;
	v7 =	vld [tilespmem:s21+$0x750]  }
0x1c6: {  	v59 =	vmul.f32 v59, v46;
	[tilespmem:$0x1FEC0] =	vst v6;
	v46 =	vld [tilespmem:$0x1FCF0]  }
0x1c7: {  	[tilespmem:$0x1FFD0] =	vst v2;
	v2 =	vld [tilespmem:s21+$0x7A0]  }
0x1c8: {  	[tilespmem:$0x1FD50] =	vst v0;
	v0 =	vld [tilespmem:s21+$0x830]  }
0x1c9: {  	v6 =	vld [tilespmem:s21+$0x87A0];
	[tilespmem:$0x1FFB0] =	vst v45;
	v28 =	vsub.f32 v29, v28  }
0x1ca: {  	[tilespmem:$0x1FF20] =	vst v7;
	v7 =	vld [tilespmem:s21+$0x8760]  }
0x1cb: {  	v45 =	vld [tilespmem:s21+$0x6D0];
	[tilespmem:$0x1FCD0] =	vst v28  }
0x1cc: {  	v28 =	vsub.f32 v33, v36;
	v36 =	vmul.f32 v51, v46;
	v51 =	vadd.f32 $0.0e+00, v59;
	[tilespmem:$0x1FF10] =	vst v2;
	v2 =	vld [tilespmem:s21+$0x87E0]  }
0x1cd: {  	[tilespmem:$0x1FEB0] =	vst v0;
	v0 =	vld [tilespmem:s21+$0x860]  }
0x1ce: {  	v11 =	vsub.f32 v12, v11;
	v12 =	vld [tilespmem:$0x1FDA0];
	v28 =	vmul.f32 v28, v47;
	v36 =	vadd.f32 v36, v51  }
0x1cf: {  	[tilespmem:$0x1FEF0] =	vst v7;
	v7 =	vld [tilespmem:s21+$0x10760]  }
0x1d0: {  	v36 =	vadd.f32 v28, v36;
	v28 =	vld [tilespmem:$0x1FD10]  }
0x1d1: {  	[tilespmem:$0x1FE40] =	vst v2;
	v2 =	vld [tilespmem:s21+$0x107E0]  }
0x1d2: {  	[tilespmem:$0x1FE00] =	vst v0;
	v0 =	vld [tilespmem:s21+$0x88A0]  }
0x1d3: {  	v14 =	vsub.f32 v16, v14;
	v16 =	vld [tilespmem:$0x1FD50]  }
0x1d4: {  	[tilespmem:$0x1FE90] =	vst v6;
	v6 =	vld [tilespmem:s21+$0x107A0]  }
0x1d5: {  	[tilespmem:$0x1FF00] =	vst v7;
	v7 =	vld [tilespmem:s21+$0x87C0]  }
0x1d6: {  	v27 =	vmul.f32 v27, v28;
	[tilespmem:$0x1FE50] =	vst v2;
	v2 =	vld [tilespmem:s21+$0x10840]  }
0x1d7: {  	v10 =	vsub.f32 v63, v10;
	[tilespmem:$0x1FD70] =	vst v0;
	v0 =	vld [tilespmem:s21+$0x108A0]  }
0x1d8: {  	v63 =	vadd.f32 v27, v36;
	v27 =	vsub.f32 v16, v42;
	v16 =	vld [tilespmem:$0x1FD60]  }
0x1d9: {  	[tilespmem:$0x1FEA0] =	vst v6;
	v6 =	vld [tilespmem:s21+$0x7C0]  }
0x1da: {  	[tilespmem:$0x1FF30] =	vst v7;
	v7 =	vld [tilespmem:s21+$0x107C0]  }
0x1db: {  	v4 =	vsub.f32 v5, v4;
	v28 =	vld [tilespmem:$0x1FD30]  }
0x1dc: {  	v2 =	vsub.f32 v3, v2;
	v3 =	vld [tilespmem:$0x1FD70];
	[tilespmem:$0x1FD80] =	vst v0  }
0x1dd: {  	v4 =	vmul.f32 v4, v15;
	v14 =	vmul.f32 v14, v16;
	v16 =	vld [tilespmem:$0x1FD80]  }
0x1de: {  	[tilespmem:$0x1FC50] =	vst v6;
	v6 =	vld [tilespmem:s21+$0x87D0]  }
0x1df: {  	v4 =	vadd.f32 $0.0e+00, v4;
	v12 =	vsub.f32 v12, v40;
	v40 =	vld [tilespmem:s21+$0x10600]  }
0x1e0: {  	v33 =	vsub.f32 v39, v41;
	v41 =	vsub.f32 v55, v56;
	v5 =	vld [tilespmem:$0x1FD20]  }
0x1e1: {  	[tilespmem:$0x1FF40] =	vst v7;
	v7 =	vld [tilespmem:s21+$0x6B0]  }
0x1e2: {  	v37 =	vmul.f32 v41, v28;
	v28 =	vsub.f32 v3, v16;
	v3 =	vadd.f32 v14, v4;
	v4 =	vld [tilespmem:$0x1FD90]  }
0x1e3: {  	[tilespmem:$0x1FED0] =	vst v6;
	v6 =	vld [tilespmem:s21+$0x107D0]  }
0x1e4: {  	v29 =	vld [tilespmem:s21+$0x86E0]  }
0x1e5: {  	v15 =	vld [tilespmem:$0x1FD40];
	v5 =	vmul.f32 v10, v5;
	v10 =	vsub.f32 v60, v61  }
0x1e6: {  	[tilespmem:$0x1FFF0] =	vst v7;
	v7 =	vld [tilespmem:s21+$0x6E0]  }
0x1e7: {  	v0 =	vld [tilespmem:s21+$0x10900];
	v4 =	vmul.f32 v10, v4  }
0x1e8: {  	v55 =	vld [tilespmem:s21+$0x8630]  }
0x1e9: {  	v3 =	vadd.f32 v4, v3;
	v4 =	vld [tilespmem:$0x1FDB0]  }
0x1ea: {  	v56 =	vld [tilespmem:s21+$0x10630]  }
0x1eb: {  	[tilespmem:$0x1FC80] =	vst v7;
	v7 =	vld [tilespmem:s21+$0x86F0]  }
0x1ec: {  	v39 =	vld [tilespmem:s21+$0x8660];
	v0 =	vsub.f32 v1, v0;
	v1 =	vsub.f32 v53, v54  }
0x1ed: {  	[tilespmem:$0x1FEE0] =	vst v6;
	v6 =	vld [tilespmem:s21+$0x10800]  }
0x1ee: {  	v1 =	vmul.f32 v1, v4;
	v4 =	vld [tilespmem:$0x1FDC0]  }
0x1ef: {  	v47 =	vld [tilespmem:s21+$0x10710]  }
0x1f0: {  	[tilespmem:$0x1FF50] =	vst v7;
	v7 =	vld [tilespmem:s21+$0x106F0]  }
0x1f1: {  	v2 =	vmul.f32 v2, v13;
	v13 =	vld [tilespmem:$0x1FDE0];
	v0 =	vmul.f32 v0, v62  }
0x1f2: {  	v6 =	vsub.f32 v9, v6;
	v9 =	vadd.f32 v1, v3;
	v3 =	vld [tilespmem:$0x1FDF0]  }
0x1f3: {  	v0 =	vadd.f32 $0.0e+00, v0;
	v4 =	vmul.f32 v11, v4;
	v11 =	vld [tilespmem:$0x1FDD0]  }
0x1f4: {  	v15 =	vmul.f32 v33, v15;
	v33 =	vld [tilespmem:s21+$0x690]  }
0x1f5: {  	v59 =	vld [tilespmem:s21+$0x700];
	v0 =	vadd.f32 v5, v0  }
0x1f6: {  	[tilespmem:$0x1FF60] =	vst v7;
	v7 =	vld [tilespmem:s21+$0x8720]  }
0x1f7: {  	v14 =	vld [tilespmem:$0x1FE10];
	v5 =	vsub.f32 v26, v20;
	v0 =	vadd.f32 v37, v0  }
0x1f8: {  	v26 =	vsub.f32 v11, v13;
	v13 =	vsub.f32 v3, v43;
	v3 =	vld [tilespmem:$0x1FE00]  }
0x1f9: {  	v10 =	vadd.f32 v15, v0;
	v15 =	vld [tilespmem:$0x1FE20]  }
0x1fa: {  	v46 =	vld [tilespmem:s21+$0x8710]  }
0x1fb: {  	[tilespmem:$0x1FF80] =	vst v7;
	v7 =	vld [tilespmem:s21+$0x10720];
	v2 =	vadd.f32 $0.0e+00, v2  }
0x1fc: {  	v51 =	vld [tilespmem:s21+$0x660]  }
0x1fd: {  	v20 =	vld [tilespmem:$0x1FE50];
	v2 =	vadd.f32 v4, v2;
	v4 =	vmul.f32 v12, v3  }
0x1fe: {  	v6 =	vmul.f32 v6, v30;
	v30 =	vsub.f32 v14, v15;
	v14 =	vld [tilespmem:$0x1FE40]  }
0x1ff: {  	v2 =	vadd.f32 v4, v2;
	v4 =	vld [tilespmem:$0x1FE30]  }
0x200: {  	[tilespmem:$0x1FF90] =	vst v7;
	v7 =	vld [tilespmem:s21+$0x10780]  }
0x201: {  	[tilespmem:$0x1FD00] =	vst v59;
	v59 =	vsub.f32 v49, v50;
	v50 =	vld [tilespmem:s21+$0x8740]  }
0x202: {  	v49 =	vld [tilespmem:s21+$0x620]  }
0x203: {  	v41 =	vld [tilespmem:s21+$0x106A0]  }
0x204: {  	v12 =	vsub.f32 v31, v23;
	v31 =	vsub.f32 v14, v20;
	v14 =	vld [tilespmem:$0x1FE60];
	v5 =	vmul.f32 v5, v4  }
0x205: {  	v7 =	vsub.f32 v8, v7;
	v8 =	vld [tilespmem:$0x1FE80]  }
0x206: {  	v5 =	vadd.f32 v5, v2;
	v2 =	vld [tilespmem:$0x1FE70]  }
0x207: {  	v60 =	vld [tilespmem:s21+$0x86D0]  }
0x208: {  	v7 =	vmul.f32 v7, v21;
	v21 =	vld [tilespmem:s21+$0x86C0]  }
0x209: {  	v16 =	vld [tilespmem:s21+$0x6C0];
	v12 =	vmul.f32 v12, v14;
	v14 =	vadd.f32 $0.0e+00, v6  }
0x20a: {  	v62 =	vld [tilespmem:s21+$0x10740]  }
0x20b: {  	v37 =	vld [tilespmem:s21+$0x86A0];
	v8 =	vmul.f32 v13, v8;
	v61 =	vsub.f32 v2, v17;
	v2 =	vadd.f32 v12, v14  }
0x20c: {  	v0 =	vsub.f32 v24, v32;
	v24 =	vld [tilespmem:s21+$0x10680]  }
0x20d: {  	v2 =	vadd.f32 v8, v2;
	v8 =	vld [tilespmem:$0x1FEB0]  }
0x20e: {  	v1 =	vld [tilespmem:s21+$0x8700]  }
0x20f: {  	v11 =	vld [tilespmem:s21+$0x106D0]  }
0x210: {  	v13 =	vld [tilespmem:$0x1FE90]  }
0x211: {  	v17 =	vld [tilespmem:$0x1FEA0]  }
0x212: {  	v3 =	vld [tilespmem:s21+$0x10700];
	v0 =	vmul.f32 v0, v8  }
0x213: {  	v23 =	vld [tilespmem:s21+$0x8690];
	v12 =	vsub.f32 v19, v18  }
0x214: {  	v18 =	vsub.f32 v50, v62;
	v62 =	vadd.f32 v0, v2;
	v0 =	vld [tilespmem:$0x1FEF0]  }
0x215: {  	v2 =	vld [tilespmem:$0x1FF00]  }
0x216: {  	v13 =	vsub.f32 v13, v17;
	v17 =	vld [tilespmem:$0x1FEC0]  }
0x217: {  	v20 =	vld [tilespmem:$0x1FF60]  }
0x218: {  	v6 =	vld [tilespmem:s21+$0x10620]  }
0x219: {  	v19 =	vld [tilespmem:$0x1FEE0]  }
0x21a: {  	v18 =	vmul.f32 v18, v25;
	v25 =	vsub.f32 v0, v2;
	v0 =	vld [tilespmem:$0x1FF10]  }
0x21b: {  	v12 =	vmul.f32 v12, v17;
	v17 =	vld [tilespmem:$0x1FED0]  }
0x21c: {  	v4 =	vld [tilespmem:s21+$0x8620]  }
0x21d: {  	v7 =	vadd.f32 $0.0e+00, v7;
	v14 =	vld [tilespmem:s21+$0x680]  }
0x21e: {  	v8 =	vld [tilespmem:s21+$0x10690]  }
0x21f: {  	v2 =	vadd.f32 v12, v7;
	v7 =	vmul.f32 v13, v0;
	v0 =	vld [tilespmem:$0x1FF20]  }
0x220: {  	v32 =	vsub.f32 v17, v19;
	v17 =	vld [tilespmem:$0x1FF50]  }
0x221: {  	v12 =	vld [tilespmem:s21+$0x600]  }
0x222: {  	v19 =	vsub.f32 v34, v22;
	v7 =	vadd.f32 v7, v2;
	v2 =	vld [tilespmem:$0x1FF70]  }
0x223: {  	v22 =	vld [tilespmem:s21+$0x106C0]  }
0x224: {  	v18 =	vadd.f32 $0.0e+00, v18;
	v13 =	vld [tilespmem:$0x1FF40];
	v19 =	vmul.f32 v19, v0  }
0x225: {  	(xrf2) =	vadd.scan.msk.f32 $0xffff, v63;
	v15 =	vsub.f32 v48, v35;
	v63 =	vsub.f32 v17, v20;
	v20 =	vld [tilespmem:$0x1FF90]  }
0x226: {  	v18 =	vadd.f32 v19, v18;
	v19 =	vld [tilespmem:$0x1FFA0]  }
0x227: {  	v15 =	vmul.f32 v15, v2;
	v2 =	vld [tilespmem:$0x1FF80]  }
0x228: {  	v17 =	vld [tilespmem:s21+$0x8680]  }
0x229: {  	v15 =	vadd.f32 v15, v7;
	v7 =	vld [tilespmem:$0x1FFD0]  }
0x22a: {  	v0 =	vld [tilespmem:$0x1FF30]  }
0x22b: {  	(xrf2) =	vadd.scan.msk.f32 $0xffff, v10;
	v10 =	vsub.f32 v21, v22;
	v25 =	vmul.f32 v25, v19;
	v19 =	vld [tilespmem:$0x1FFB0]  }
0x22c: {  	(xrf2) =	vadd.scan.msk.f32 $0xffff, v9;
	v2 =	vsub.f32 v2, v20;
	v20 =	vld [tilespmem:$0x1FFC0]  }
0x22d: {  	(xrf2) =	vadd.scan.msk.f32 $0xffff, v5;
	v5 =	vmul.f32 v10, v16;
	v10 =	vld [tilespmem:$0x1FFF0]  }
0x22e: {  	v21 =	vadd.f32 v25, v18;
	v25 =	vmul.f32 v61, v7;
	v7 =	vld [tilespmem:$0x1FFE0]  }
0x22f: {  	v57 =	vsub.f32 v57, v58;
	v35 =	vsub.f32 v29, v52;
	v34 =	vld [tilespmem:s21+$0x8600]  }
0x230: {  	v9 =	vsub.f32 v55, v56;
	v22 =	vsub.f32 v60, v11;
	v11 =	vld [tilespmem:s21+$0x8640]  }
0x231: {  	v0 =	vsub.f32 v0, v13;
	v13 =	vld [tilespmem:s21+$0x8610];
	v20 =	vsub.f32 v19, v20  }
0x232: {  	v42 =	vsub.f32 v17, v24;
	v16 =	vadd.f32 v25, v21;
	v21 =	vld [tilespmem:s21+$0x640]  }
0x233: {  	s23 =	simm.s32 $0x2000;
	s22 =	simm.s32 $0x18800;
	v19 =	vld [tilespmem:s21+$0x10610];
	v25, _, _ =	vpop (xrf2);
	(xrf2) =	vadd.scan.msk.f32 $0xffff, v62;
	v18 =	vmul.f32 v63, v7;
	v7 =	vsub.f32 v46, v47;
	v10 =	vmul.f32 v20, v10  }
.LBB2_2:
0x234: {  	_ = 	snop  }
0x235: {  	v8 =	vsub.f32 v23, v8;
	v23 =	vsub.f32 v1, v3;
	v1 =	vld [tilespmem:$0x1FC80]  }
0x236: {  	v3 =	vsub.f32 v34, v40;
	_ =	sdelay $0x1  }
0x237: {  	v20 =	vmul.f32 v3, v12;
	v12 =	vsub.f32 v13, v19  }
0x238: {  	v47 =	vadd.f32 $0.0e+00, v5;
	v5, _, _ =	vpop (xrf2);
	(xrf2) =	vadd.scan.msk.f32 $0xffff, v15;
	v14 =	vmul.f32 v42, v14;
	v4 =	vsub.f32 v4, v6  }
0x239: {  	v12 =	vmul.f32 v12, v38;
	v17 =	vmul.f32 v35, v1;
	v1, _, _ =	vpop (xrf2);
	(xrf2) =	vadd.scan.msk.f32 $0xffff, v16;
	v16 =	vadd.f32 $0.0e+00, v20  }
0x23a: {  	v14 =	vadd.f32 $0.0e+00, v14;
	v8 =	vmul.f32 v8, v33  }
0x23b: {  	v4 =	vmul.f32 v4, v49;
	v12 =	vadd.f32 v12, v16  }
0x23c: {  	v8 =	vadd.f32 v8, v14;
	v14 =	vld [tilespmem:$0x1FCA0]  }
0x23d: {  	v4 =	vadd.f32 v4, v12;
	v12 =	vld [tilespmem:$0x1FC90];
	_ =	sdelay $0x1  }
0x23e: {  	v22 =	vmul.f32 v22, v45  }
0x23f: {  	v37 =	vsub.f32 v37, v41  }
0x240: {  	v22 =	vadd.f32 v22, v47  }
0x241: {  	v14 =	vmul.f32 v37, v14;
	v9 =	vmul.f32 v9, v12;
	v12 =	vld [tilespmem:$0x1FD00]  }
0x242: {  	v15 =	vadd.f32 v17, v22  }
0x243: {  	v8 =	vadd.f32 v14, v8;
	v14 =	vld [tilespmem:s21+$0x710]  }
0x244: {  	v20 =	vadd.f32 v18, v15  }
0x245: {  	v43 =	vld [tilespmem:s21+$0x10640]  }
0x246: {  	v29 =	vld [tilespmem:s21+$0x8650];
	v3, _, _ =	vpop (xrf2);
	(xrf2) =	vadd.scan.msk.f32 $0xffff, v20;
	v8 =	vadd.f32 v10, v8;
	v20 =	vmul.f32 v23, v12  }
0x247: {  	v48 =	vld [tilespmem:s21+$0x10650]  }
0x248: {  	v6 =	vld [tilespmem:s21+$0x10660];
	v15, _, _ =	vpop (xrf2);
	(xrf2) =	vadd.scan.msk.f32 $0xffff, v8;
	v7 =	vmul.f32 v7, v14;
	v8 =	vadd.f32 $0.0e+00, v20  }
0x249: {  	v13 =	vld [tilespmem:s21+$0x650]  }
0x24a: {  	v7 =	vadd.f32 v7, v8;
	v8 =	vld [tilespmem:$0x1FC60]  }
0x24b: {  	v11 =	vsub.f32 v11, v43;
	v19 =	vld [tilespmem:s21+$0x10670]  }
0x24c: {  	v17 =	vld [tilespmem:s21+$0x8670]  }
0x24d: {  	v11 =	vmul.f32 v11, v21;
	v16 =	vld [tilespmem:s21+$0x670];
	v18 =	vsub.f32 v29, v48  }
0x24e: {  	v6 =	vsub.f32 v39, v6;
	v10 =	vld [tilespmem:s21+$0x10730]  }
0x24f: {  	v11 =	vadd.f32 $0.0e+00, v11;
	v13 =	vmul.f32 v18, v13;
	v2 =	vmul.f32 v2, v8;
	v8 =	vld [tilespmem:$0x1FC70];
	_ =	sdelay $0x1  }
0x250: {  	v6 =	vmul.f32 v6, v51;
	v11 =	vadd.f32 v13, v11;
	v13 =	vsub.f32 v17, v19;
	v17 =	vld [tilespmem:s21+$0x730];
	_ =	sdelay $0x1  }
0x251: {  	v6 =	vadd.f32 v6, v11;
	v11 =	vmul.f32 v13, v16;
	v13 =	vld [tilespmem:$0x1FC50]  }
0x252: {  	v8 =	vsub.f32 v8, v10  }
0x253: {  	v18 =	vld [tilespmem:s21+$0x7D0]  }
0x254: {  	v2 =	vadd.f32 v2, v7;
	v7 =	vmul.f32 v8, v17;
	v8 =	vld [tilespmem:$0x1FC20];
	_ =	sdelay $0x1  }
0x255: {  	v4 =	vadd.f32 v9, v4;
	v0 =	vmul.f32 v0, v13;
	v13 =	vld [tilespmem:s21+$0x890]  }
0x256: {  	v9 =	vld [tilespmem:s21+$0x107F0]  }
0x257: {  	v12, _, _ =	vpop (xrf2);
	(xrf2) =	vadd.scan.msk.f32 $0xffff, v4;
	v4 =	vadd.f32 v11, v6;
	v6 =	vmul.f32 v32, v18;
	v11 =	vld [tilespmem:s21+$0x108B0];
	v0 =	vadd.f32 $0.0e+00, v0  }
0x258: {  	v18 =	vld [tilespmem:$0x1FC10];
	v8 =	vmul.f32 v30, v8  }
0x259: {  	v0 =	vadd.f32 v6, v0;
	v17 =	vld [tilespmem:$0x1FC40]  }
0x25a: {  	v14, _, _ =	vpop (xrf2);
	(xrf2) =	vadd.scan.msk.f32 $0xffff, v4;
	v6 =	vld [tilespmem:$0x1FC30];
	v2 =	vadd.f32 v7, v2;
	v7 =	vmul.f32 v26, v13;
	v4 =	vadd.f32 $0.0e+00, v8  }
0x25b: {  	v10 =	vld [tilespmem:s21+$0x7F0]  }
0x25c: {  	v4 =	vadd.f32 v7, v4;
	v7 =	vld [tilespmem:$0x1FC00];
	_ =	sdelay $0x1  }
0x25d: {  	v9 =	vsub.f32 v17, v9;
	v17 =	vld [tilespmem:s21+$0x8B0]  }
0x25e: {  	v6 =	vmul.f32 v31, v6  }
0x25f: {  	v16 =	vld [tilespmem:s21+$0x950];
	v11 =	vsub.f32 v18, v11  }
0x260: {  	v0 =	vadd.f32 v6, v0;
	v6 =	vmul.f32 v9, v10;
	v9 =	vld [tilespmem:$0x1FBF0];
	v7 =	vmul.f32 v28, v7;
	_ =	sdelay $0x1  }
0x261: {  	v19 =	vld [tilespmem:$0x1FCE0];
	v0 =	vadd.f32 v6, v0;
	v4 =	vadd.f32 v7, v4;
	v7 =	vmul.f32 v11, v17  }
0x262: {  	v13, _, _ =	vpop (xrf2);
	(xrf2) =	vadd.scan.msk.f32 $0xffff, v2;
	v8 =	vld [tilespmem:s21+$0x960]  }
0x263: {  	v6 =	vmul.f32 v57, v16;
	v16, _, _ =	vpop (xrf2);
	(xrf2) =	vadd.scan.msk.f32 $0xffff, v0;
	v0 =	vadd.f32 v7, v4;
	v4 =	vld [tilespmem:$0x1FBA0]  }
0x264: {  	v9 =	vmul.f32 v27, v9;
	v7 =	vld [tilespmem:$0x1FCD0]  }
0x265: {  	v10 =	vld [tilespmem:s21+$0x109E0]  }
0x266: {  	v2 =	vadd.f32 $0.0e+00, v9;
	v11 =	vld [tilespmem:$0x1FBD0]  }
0x267: {  	v17 =	vld [tilespmem:$0x1FBE0]  }
0x268: {  	v2 =	vadd.f32 v6, v2;
	v6 =	vmul.f32 v59, v8;
	v8 =	vld [tilespmem:$0x1FBC0]  }
0x269: {  	v4 =	vmul.f32 v7, v4;
	v7 =	vld [tilespmem:$0x1FBB0]  }
0x26a: {  	v18 =	vld [tilespmem:s21+$0x970]  }
0x26b: {  	v9 =	vld [tilespmem:s21+$0x109F0]  }
0x26c: {  	v11 =	vsub.f32 v11, v17;
	v17 =	vld [tilespmem:s21+$0x9E0]  }
0x26d: {  	v8 =	vmul.f32 v19, v8  }
0x26e: {  	v7 =	vsub.f32 v7, v10;
	v10 =	vld [tilespmem:s21+$0x9F0]  }
0x26f: {  	v2 =	vadd.f32 v6, v2;
	v11 =	vmul.f32 v11, v18;
	v8 =	vadd.f32 $0.0e+00, v8  }
0x270: {  	v9 =	vsub.f32 v44, v9;
	v19, _, _ =	vpop (xrf2);
	(xrf2) =	vadd.scan.msk.f32 $0xffff, v0  }
0x271: {  	v6, _, _ =	vpop (xrf2);
	v0 =	vadd.f32 v11, v2;
	v2 =	vadd.f32 v4, v8;
	v4 =	vmul.f32 v7, v17  }
0x272: {  	v6 =	vbroadcast v6, $0xF;
	v11 =	vbroadcast v19, $0xF  }
0x273: {  	v8 =	vbroadcast v16, $0xF;
	(xrf2) =	vadd.scan.msk.f32 $0xffff, v0;
	v2 =	vadd.f32 v4, v2;
	v4 =	vmul.f32 v9, v10  }
0x274: {  	v0 =	vsel vm0, v11, v6;
	v6 =	vbroadcast v13, $0xF;
	v7, _, _ =	vpop (xrf2)  }
0x275: {  	v0 =	vsel vm1, v0, v8;
	v8 =	vbroadcast v7, $0xF;
	v2 =	vadd.f32 v4, v2  }
0x276: {  	v0 =	vsel vm2, v0, v6;
	v4 =	vbroadcast v14, $0xF  }
0x277: {  	v6 =	vbroadcast v12, $0xF;
	v7, _, _ =	vpop (xrf2);
	v0 =	vsel vm3, v0, v8;
	(xrf2) =	vadd.scan.msk.f32 $0xffff, v2  }
0x278: {  	v0 =	vsel vm4, v0, v4;
	v2 =	vbroadcast v7, $0xF  }
0x279: {  	v4 =	vbroadcast v15, $0xF;
	v0 =	vsel vm5, v0, v6  }
0x27a: {  	v0 =	vsel vm6, v0, v2;
	v2 =	vbroadcast v3, $0xF;
	v3, _, _ =	vpop (xrf2)  }
0x27b: {  	v0 =	vsel vm7, v0, v4;
	v4 =	vbroadcast v3, $0xF  }
0x27c: {  	v1 =	vbroadcast v1, $0xF;
	v0 =	vsel vm8, v0, v2  }
0x27d: {  	s20 =	sadd.s32 $0x10, s20;
	v3, _, _ =	vpop (xrf2);
	v2 =	vbroadcast v5, $0xF;
	v0 =	vsel vm9, v0, v4  }
0x27e: {  	v4 =	vbroadcast v3, $0xF;
	v3 =	vld [tilespmem:s20+$0x0];
	v0 =	vsel vm10, v0, v1  }
0x27f: {  	v0 =	vsel vm11, v0, v2;
	v2 =	vbroadcast v25, $0xF  }
0x280: {  	v0 =	vsel vm12, v0, v4  }
0x281: {  	v0 =	vsel vm13, v0, v2;
	v1, _, _ =	vpop (xrf2)  }
0x282: {  	v0 =	vsel vm14, v0, v1  }
0x283: {  	v0 =	vadd.f32 v0, v3;
	_ =	sdelay $0x1  }
0x284: {  	v0 =	vsub.f32 $0.0e+00, v0;
	_ =	sdelay $0x1  }
0x285: {  	v0 =	vmul.f32 $1.442695020e+00, v0;
	_ =	sdelay $0x1  }
0x286: {  	(erf) = vpow2.f32 v0;
	_ =	sdelay $0x8  }
0x287: {  	v0 =	vpop (erf)  }
0x288: {  	v0 =	vadd.f32 $1.000000000e+00, v0;
	_ =	sdelay $0x1  }
0x289: {  	(erf) = vrcp.f32 v0;
	_ =	sdelay $0x8  }
0x28a: {  	s22 =	sadd.s32 $0x10, s22;
	v0 =	vpop (erf)  }
0x28b: {  	s21 =	sshra.s32 s23, $0x2;
	[tilespmem:s22+$0x0] =	vst v0  }
0x28c: {  	v0 =	vld [tilespmem:s21+$0x89F0];
	_ =	sdelay $0x4  }
0x28d: {  	[tilespmem:$0x1F760] =	vst v0;
	v0 =	vld [tilespmem:s21+$0x9D0];
	_ =	sdelay $0x4  }
0x28e: {  	[tilespmem:$0x1FBA0] =	vst v0;
	v0 =	vld [tilespmem:s21+$0x89E0];
	_ =	sdelay $0x4  }
0x28f: {  	[tilespmem:$0x1FBB0] =	vst v0;
	v0 =	vld [tilespmem:s21+$0x9C0];
	_ =	sdelay $0x4  }
0x290: {  	[tilespmem:$0x1FBC0] =	vst v0;
	v0 =	vld [tilespmem:s21+$0x8970];
	_ =	sdelay $0x4  }
0x291: {  	[tilespmem:$0x1FBD0] =	vst v0;
	v0 =	vld [tilespmem:s21+$0x10970];
	_ =	sdelay $0x4  }
0x292: {  	[tilespmem:$0x1FBE0] =	vst v0;
	v0 =	vld [tilespmem:s21+$0x109A0];
	_ =	sdelay $0x4  }
0x293: {  	[tilespmem:$0x1F450] =	vst v0;
	v0 =	vld [tilespmem:s21+$0x89C0];
	_ =	sdelay $0x4  }
0x294: {  	[tilespmem:$0x1F460] =	vst v0;
	v0 =	vld [tilespmem:s21+$0x109C0];
	_ =	sdelay $0x4  }
0x295: {  	[tilespmem:$0x1F470] =	vst v0;
	v0 =	vld [tilespmem:s21+$0x8F0];
	_ =	sdelay $0x4  }
0x296: {  	[tilespmem:$0x1F600] =	vst v0;
	v0 =	vld [tilespmem:s21+$0x8930];
	_ =	sdelay $0x4  }
0x297: {  	[tilespmem:$0x1F480] =	vst v0;
	v0 =	vld [tilespmem:s21+$0x10930];
	_ =	sdelay $0x4  }
0x298: {  	[tilespmem:$0x1F490] =	vst v0;
	v0 =	vld [tilespmem:s21+$0x8960];
	_ =	sdelay $0x4  }
0x299: {  	[tilespmem:$0x1F4A0] =	vst v0;
	v0 =	vld [tilespmem:s21+$0x10960];
	_ =	sdelay $0x4  }
0x29a: {  	[tilespmem:$0x1F4B0] =	vst v0;
	v0 =	vld [tilespmem:s21+$0x980];
	_ =	sdelay $0x4  }
0x29b: {  	[tilespmem:$0x1F440] =	vst v0;
	v0 =	vld [tilespmem:s21+$0x8E0];
	_ =	sdelay $0x4  }
0x29c: {  	[tilespmem:$0x1F5B0] =	vst v0;
	v0 =	vld [tilespmem:s21+$0x88F0];
	_ =	sdelay $0x4  }
0x29d: {  	[tilespmem:$0x1F4C0] =	vst v0;
	v0 =	vld [tilespmem:s21+$0x108F0];
	_ =	sdelay $0x4  }
0x29e: {  	[tilespmem:$0x1F4D0] =	vst v0;
	v0 =	vld [tilespmem:s21+$0x910];
	_ =	sdelay $0x4  }
0x29f: {  	[tilespmem:$0x1F520] =	vst v0;
	v0 =	vld [tilespmem:s21+$0x8920];
	_ =	sdelay $0x4  }
0x2a0: {  	[tilespmem:$0x1F4E0] =	vst v0;
	v0 =	vld [tilespmem:s21+$0x10920];
	_ =	sdelay $0x4  }
0x2a1: {  	[tilespmem:$0x1F4F0] =	vst v0;
	v0 =	vld [tilespmem:s21+$0x940];
	_ =	sdelay $0x4  }
0x2a2: {  	[tilespmem:$0x1FBF0] =	vst v0;
	v0 =	vld [tilespmem:s21+$0x8950];
	_ =	sdelay $0x4  }
0x2a3: {  	[tilespmem:$0x1F500] =	vst v0;
	v0 =	vld [tilespmem:s21+$0x10950];
	_ =	sdelay $0x4  }
0x2a4: {  	[tilespmem:$0x1F510] =	vst v0;
	v0 =	vld [tilespmem:s21+$0x870];
	_ =	sdelay $0x4  }
0x2a5: {  	[tilespmem:$0x1F660] =	vst v0;
	v0 =	vld [tilespmem:s21+$0x8A0];
	_ =	sdelay $0x4  }
0x2a6: {  	[tilespmem:$0x1FC00] =	vst v0;
	v0 =	vld [tilespmem:s21+$0x88B0];
	_ =	sdelay $0x4  }
0x2a7: {  	[tilespmem:$0x1FC10] =	vst v0;
	v0 =	vld [tilespmem:s21+$0x8D0];
	_ =	sdelay $0x4  }
0x2a8: {  	[tilespmem:$0x1F580] =	vst v0;
	v0 =	vld [tilespmem:s21+$0x88E0];
	_ =	sdelay $0x4  }
0x2a9: {  	[tilespmem:$0x1F530] =	vst v0;
	v0 =	vld [tilespmem:s21+$0x108E0];
	_ =	sdelay $0x4  }
0x2aa: {  	[tilespmem:$0x1F540] =	vst v0;
	v0 =	vld [tilespmem:s21+$0x8940];
	_ =	sdelay $0x4  }
0x2ab: {  	[tilespmem:$0x1F560] =	vst v0;
	v0 =	vld [tilespmem:s21+$0x10940];
	_ =	sdelay $0x4  }
0x2ac: {  	[tilespmem:$0x1F570] =	vst v0;
	v0 =	vld [tilespmem:s21+$0x830];
	_ =	sdelay $0x4  }
0x2ad: {  	[tilespmem:$0x1F6A0] =	vst v0;
	v0 =	vld [tilespmem:s21+$0x860];
	_ =	sdelay $0x4  }
0x2ae: {  	[tilespmem:$0x1F650] =	vst v0;
	v0 =	vld [tilespmem:s21+$0x8870];
	_ =	sdelay $0x4  }
0x2af: {  	[tilespmem:$0x1F550] =	vst v0;
	v0 =	vld [tilespmem:s21+$0x88A0];
	_ =	sdelay $0x4  }
0x2b0: {  	[tilespmem:$0x1F590] =	vst v0;
	v0 =	vld [tilespmem:s21+$0x108A0];
	_ =	sdelay $0x4  }
0x2b1: {  	[tilespmem:$0x1F5A0] =	vst v0;
	v0 =	vld [tilespmem:s21+$0x820];
	_ =	sdelay $0x4  }
0x2b2: {  	[tilespmem:$0x1F680] =	vst v0;
	v0 =	vld [tilespmem:s21+$0x8830];
	_ =	sdelay $0x4  }
0x2b3: {  	[tilespmem:$0x1F5C0] =	vst v0;
	v0 =	vld [tilespmem:s21+$0x10830];
	_ =	sdelay $0x4  }
0x2b4: {  	[tilespmem:$0x1F5D0] =	vst v0;
	v0 =	vld [tilespmem:s21+$0x850];
	_ =	sdelay $0x4  }
0x2b5: {  	[tilespmem:$0x1F610] =	vst v0;
	v0 =	vld [tilespmem:s21+$0x8860];
	_ =	sdelay $0x4  }
0x2b6: {  	[tilespmem:$0x1F5E0] =	vst v0;
	v0 =	vld [tilespmem:s21+$0x10860];
	_ =	sdelay $0x4  }
0x2b7: {  	[tilespmem:$0x1F5F0] =	vst v0;
	v0 =	vld [tilespmem:s21+$0x880];
	_ =	sdelay $0x4  }
0x2b8: {  	[tilespmem:$0x1FC20] =	vst v0;
	v0 =	vld [tilespmem:s21+$0x8890];
	_ =	sdelay $0x4  }
0x2b9: {  	[tilespmem:$0x1F620] =	vst v0;
	v0 =	vld [tilespmem:s21+$0x10890];
	_ =	sdelay $0x4  }
0x2ba: {  	[tilespmem:$0x1F630] =	vst v0;
	v0 =	vld [tilespmem:s21+$0x7B0];
	_ =	sdelay $0x4  }
0x2bb: {  	[tilespmem:$0x1F710] =	vst v0;
	v0 =	vld [tilespmem:s21+$0x7E0];
	_ =	sdelay $0x4  }
0x2bc: {  	[tilespmem:$0x1FC30] =	vst v0;
	v0 =	vld [tilespmem:s21+$0x87F0];
	_ =	sdelay $0x4  }
0x2bd: {  	[tilespmem:$0x1FC40] =	vst v0;
	v0 =	vld [tilespmem:s21+$0x810];
	_ =	sdelay $0x4  }
0x2be: {  	[tilespmem:$0x1F670] =	vst v0;
	v0 =	vld [tilespmem:s21+$0x8820];
	_ =	sdelay $0x4  }
0x2bf: {  	[tilespmem:$0x1F640] =	vst v0;
	v0 =	vld [tilespmem:s21+$0x770];
	_ =	sdelay $0x4  }
0x2c0: {  	[tilespmem:$0x1F730] =	vst v0;
	v0 =	vld [tilespmem:s21+$0x7A0];
	_ =	sdelay $0x4  }
0x2c1: {  	[tilespmem:$0x1F6F0] =	vst v0;
	v0 =	vld [tilespmem:s21+$0x760];
	_ =	sdelay $0x4  }
0x2c2: {  	[tilespmem:$0x1F720] =	vst v0;
	v0 =	vld [tilespmem:s21+$0x790];
	_ =	sdelay $0x4  }
0x2c3: {  	[tilespmem:$0x1F6B0] =	vst v0;
	v0 =	vld [tilespmem:s21+$0x87A0];
	_ =	sdelay $0x4  }
0x2c4: {  	[tilespmem:$0x1F690] =	vst v0;
	v0 =	vld [tilespmem:s21+$0x7C0];
	_ =	sdelay $0x4  }
0x2c5: {  	[tilespmem:$0x1FC50] =	vst v0;
	v0 =	vld [tilespmem:s21+$0x87D0];
	_ =	sdelay $0x4  }
0x2c6: {  	[tilespmem:$0x1F6C0] =	vst v0;
	v0 =	vld [tilespmem:s21+$0x107D0];
	_ =	sdelay $0x4  }
0x2c7: {  	[tilespmem:$0x1F6D0] =	vst v0;
	v0 =	vld [tilespmem:s21+$0x6F0];
	_ =	sdelay $0x4  }
0x2c8: {  	[tilespmem:$0x1F740] =	vst v0;
	v0 =	vld [tilespmem:s21+$0x720];
	_ =	sdelay $0x4  }
0x2c9: {  	[tilespmem:$0x1FC60] =	vst v0;
	v0 =	vld [tilespmem:s21+$0x8730];
	_ =	sdelay $0x4  }
0x2ca: {  	[tilespmem:$0x1FC70] =	vst v0;
	v0 =	vld [tilespmem:s21+$0x750];
	_ =	sdelay $0x4  }
0x2cb: {  	[tilespmem:$0x1F700] =	vst v0;
	v0 =	vld [tilespmem:s21+$0x8760];
	_ =	sdelay $0x3  }
0x2cc: {  	v49 =	vld [tilespmem:s21+$0x9B0]  }
0x2cd: {  	[tilespmem:$0x1F6E0] =	vst v0;
	v0 =	vld [tilespmem:s21+$0x6B0]  }
0x2ce: {  	v5 =	vld [tilespmem:s21+$0x9A0]  }
0x2cf: {  	v1 =	vld [tilespmem:s21+$0x89B0]  }
0x2d0: {  	v44 =	vld [tilespmem:s21+$0x109B0]  }
0x2d1: {  	v2 =	vld [tilespmem:s21+$0x89D0]  }
0x2d2: {  	[tilespmem:$0x1F750] =	vst v0;
	v0 =	vld [tilespmem:s21+$0x6E0]  }
0x2d3: {  	v46 =	vld [tilespmem:s21+$0x109D0]  }
0x2d4: {  	v50 =	vld [tilespmem:s21+$0x930]  }
0x2d5: {  	v3 =	vld [tilespmem:s21+$0x990]  }
0x2d6: {  	v47 =	vld [tilespmem:s21+$0x89A0]  }
0x2d7: {  	[tilespmem:$0x1FC80] =	vst v0;
	v0 =	vld [tilespmem:s21+$0x630]  }
0x2d8: {  	v51 =	vld [tilespmem:s21+$0x920]  }
0x2d9: {  	v22 =	vld [tilespmem:s21+$0x8990]  }
0x2da: {  	v29 =	vld [tilespmem:s21+$0x8980]  }
0x2db: {  	v52 =	vld [tilespmem:s21+$0x10980]  }
0x2dc: {  	[tilespmem:$0x1FC90] =	vst v0;
	v0 =	vld [tilespmem:s21+$0x6A0]  }
0x2dd: {  	v21 =	vld [tilespmem:s21+$0x10990]  }
0x2de: {  	v37 =	vld [tilespmem:s21+$0x900];
	v2 =	vsub.f32 v2, v46  }
0x2df: {  	v33 =	vld [tilespmem:s21+$0x8910]  }
0x2e0: {  	[tilespmem:$0x1FCD0] =	vst v2;
	v2 =	vld [tilespmem:$0x1F450]  }
0x2e1: {  	[tilespmem:$0x1FCA0] =	vst v0;
	v0 =	vsub.f32 v29, v52;
	v29 =	vld [tilespmem:$0x1F440]  }
0x2e2: {  	v28 =	vld [tilespmem:s21+$0x10910]  }
0x2e3: {  	v41 =	vld [tilespmem:s21+$0x10870]  }
0x2e4: {  	v31 =	vld [tilespmem:s21+$0x8C0]  }
0x2e5: {  	v1 =	vsub.f32 v1, v44;
	v44 =	vld [tilespmem:$0x1F470]  }
0x2e6: {  	v0 =	vmul.f32 v0, v29;
	v29 =	vsub.f32 v47, v2;
	v2 =	vld [tilespmem:$0x1F460]  }
0x2e7: {  	v27 =	vld [tilespmem:s21+$0x88D0]  }
0x2e8: {  	v26 =	vld [tilespmem:s21+$0x108D0]  }
0x2e9: {  	v20 =	vld [tilespmem:s21+$0x8900]  }
0x2ea: {  	v7 =	vld [tilespmem:s21+$0x10900]  }
0x2eb: {  	v9 =	vld [tilespmem:s21+$0x88C0];
	v2 =	vsub.f32 v2, v44  }
0x2ec: {  	v11 =	vld [tilespmem:s21+$0x108C0]  }
0x2ed: {  	[tilespmem:$0x1FCE0] =	vst v2;
	v2 =	vld [tilespmem:s21+$0x700]  }
0x2ee: {  	v38 =	vld [tilespmem:s21+$0x10820]  }
0x2ef: {  	v59 =	vld [tilespmem:s21+$0x840]  }
0x2f0: {  	v62 =	vld [tilespmem:s21+$0x8850]  }
0x2f1: {  	v44 =	vld [tilespmem:$0x1F490]  }
0x2f2: {  	[tilespmem:$0x1FD00] =	vst v2;
	v2 =	vld [tilespmem:$0x1F480]  }
0x2f3: {  	v23 =	vld [tilespmem:s21+$0x10850]  }
0x2f4: {  	v39 =	vld [tilespmem:s21+$0x8880]  }
0x2f5: {  	v30 =	vld [tilespmem:s21+$0x10880];
	v22 =	vsub.f32 v22, v21  }
0x2f6: {  	v42 =	vld [tilespmem:s21+$0x87B0]  }
0x2f7: {  	v6 =	vld [tilespmem:s21+$0x107B0];
	v0 =	vadd.f32 $0.0e+00, v0;
	v2 =	vsub.f32 v2, v44;
	v44 =	vmul.f32 v22, v3  }
0x2f8: {  	v40 =	vld [tilespmem:s21+$0x87E0]  }
0x2f9: {  	v14 =	vld [tilespmem:s21+$0x107E0];
	v29 =	vmul.f32 v29, v5;
	v0 =	vadd.f32 v44, v0  }
0x2fa: {  	v57 =	vld [tilespmem:s21+$0x800]  }
0x2fb: {  	v0 =	vadd.f32 v29, v0;
	v29 =	vsub.f32 v9, v11;
	v9 =	vld [tilespmem:$0x1F520]  }
0x2fc: {  	v58 =	vld [tilespmem:s21+$0x8810];
	v20 =	vsub.f32 v20, v7  }
0x2fd: {  	v4 =	vld [tilespmem:s21+$0x10810]  }
0x2fe: {  	v12 =	vld [tilespmem:s21+$0x8840];
	v33 =	vsub.f32 v33, v28;
	v20 =	vmul.f32 v20, v37  }
0x2ff: {  	v36 =	vld [tilespmem:s21+$0x10840]  }
0x300: {  	v48 =	vld [tilespmem:s21+$0x8770];
	v1 =	vmul.f32 v1, v49;
	v20 =	vadd.f32 $0.0e+00, v20;
	v33 =	vmul.f32 v33, v9  }
0x301: {  	v32 =	vld [tilespmem:s21+$0x10770]  }
0x302: {  	v0 =	vadd.f32 v1, v0;
	v1 =	vmul.f32 v29, v31;
	v29 =	vadd.f32 v33, v20;
	v20 =	vld [tilespmem:$0x1F550]  }
0x303: {  	v7 =	vld [tilespmem:$0x1F4B0]  }
0x304: {  	v46 =	vld [tilespmem:$0x1F4D0]  }
0x305: {  	v3 =	vld [tilespmem:$0x1F4A0]  }
0x306: {  	v26 =	vsub.f32 v27, v26;
	v27 =	vld [tilespmem:$0x1F570]  }
0x307: {  	v31 =	vsub.f32 v20, v41;
	v20 =	vld [tilespmem:$0x1F560]  }
0x308: {  	v28 =	vld [tilespmem:$0x1F4F0]  }
0x309: {  	v5 =	vld [tilespmem:$0x1F4E0]  }
0x30a: {  	v47 =	vsub.f32 v3, v7;
	v3 =	vld [tilespmem:$0x1F4C0]  }
0x30b: {  	v43 =	vld [tilespmem:s21+$0x107A0]  }
0x30c: {  	v27 =	vsub.f32 v20, v27;
	v20 =	vld [tilespmem:$0x1F580]  }
0x30d: {  	v19 =	vld [tilespmem:s21+$0x8800]  }
0x30e: {  	v37 =	vsub.f32 v5, v28;
	v28 =	vld [tilespmem:$0x1F500]  }
0x30f: {  	v3 =	vsub.f32 v3, v46;
	v46 =	vld [tilespmem:$0x1F510]  }
0x310: {  	v2 =	vmul.f32 v2, v50;
	v50 =	vld [tilespmem:$0x1F5A0]  }
0x311: {  	v26 =	vmul.f32 v26, v20;
	v20 =	vld [tilespmem:$0x1F590]  }
0x312: {  	v35 =	vld [tilespmem:s21+$0x10800]  }
0x313: {  	v11 =	vld [tilespmem:$0x1F530]  }
0x314: {  	v46 =	vsub.f32 v28, v46;
	v28 =	vld [tilespmem:$0x1F540]  }
0x315: {  	v53 =	vld [tilespmem:s21+$0x10760]  }
0x316: {  	v37 =	vmul.f32 v37, v51;
	v50 =	vsub.f32 v20, v50;
	v20 =	vld [tilespmem:$0x1F5B0]  }
0x317: {  	v8 =	vld [tilespmem:s21+$0x780]  }
0x318: {  	v10 =	vld [tilespmem:s21+$0x8790];
	v29 =	vadd.f32 v37, v29  }
0x319: {  	v13 =	vld [tilespmem:s21+$0x10790];
	v1 =	vadd.f32 $0.0e+00, v1;
	v28 =	vsub.f32 v11, v28  }
0x31a: {  	v2 =	vadd.f32 v2, v29;
	v29 =	vld [tilespmem:$0x1F5D0]  }
0x31b: {  	v1 =	vadd.f32 v26, v1;
	v26 =	vmul.f32 v28, v20;
	v20 =	vld [tilespmem:$0x1F5C0]  }
0x31c: {  	v54 =	vld [tilespmem:s21+$0x87C0]  }
0x31d: {  	v55 =	vld [tilespmem:s21+$0x107C0]  }
0x31e: {  	v60 =	vld [tilespmem:s21+$0x86F0]  }
0x31f: {  	v23 =	vsub.f32 v62, v23;
	v62 =	vld [tilespmem:$0x1F5F0]  }
0x320: {  	v29 =	vsub.f32 v20, v29;
	v20 =	vld [tilespmem:$0x1F5E0]  }
0x321: {  	v25 =	vld [tilespmem:s21+$0x106F0]  }
0x322: {  	v56 =	vld [tilespmem:s21+$0x8720]  }
0x323: {  	v61 =	vld [tilespmem:s21+$0x10720]  }
0x324: {  	v16 =	vld [tilespmem:s21+$0x740]  }
0x325: {  	v62 =	vsub.f32 v20, v62;
	v20 =	vadd.f32 v26, v1;
	v1 =	vld [tilespmem:$0x1F600]  }
0x326: {  	v34 =	vld [tilespmem:s21+$0x8750]  }
0x327: {  	v15 =	vld [tilespmem:s21+$0x10750]  }
0x328: {  	v17 =	vld [tilespmem:s21+$0x8780]  }
0x329: {  	v24 =	vld [tilespmem:s21+$0x10780]  }
0x32a: {  	v3 =	vmul.f32 v3, v1;
	v1 =	vld [tilespmem:$0x1F610]  }
0x32b: {  	v18 =	vld [tilespmem:s21+$0x86B0];
	v12 =	vsub.f32 v12, v36  }
0x32c: {  	v63 =	vld [tilespmem:s21+$0x106B0]  }
0x32d: {  	v45 =	vld [tilespmem:s21+$0x6D0];
	v12 =	vmul.f32 v12, v59  }
0x32e: {  	v21 =	vld [tilespmem:s21+$0x106E0]  }
0x32f: {  	v36 =	vld [tilespmem:s21+$0x106D0];
	v12 =	vadd.f32 $0.0e+00, v12;
	v23 =	vmul.f32 v23, v1  }
0x330: {  	v58 =	vsub.f32 v58, v4;
	v4 =	vld [tilespmem:s21+$0x8620]  }
0x331: {  	v12 =	vadd.f32 v23, v12;
	v23 =	vld [tilespmem:$0x1F650]  }
0x332: {  	v30 =	vsub.f32 v39, v30;
	v39 =	vld [tilespmem:s21+$0x8660]  }
0x333: {  	v42 =	vsub.f32 v42, v6;
	v6 =	vld [tilespmem:$0x1F660]  }
0x334: {  	v17 =	vsub.f32 v17, v24;
	v15 =	vsub.f32 v34, v15;
	v34 =	vld [tilespmem:s21+$0x8600]  }
0x335: {  	v19 =	vsub.f32 v19, v35;
	v35 =	vld [tilespmem:$0x1F640]  }
0x336: {  	v17 =	vmul.f32 v17, v8;
	v8 =	vld [tilespmem:$0x1F690];
	v23 =	vmul.f32 v62, v23  }
0x337: {  	v49 =	vld [tilespmem:s21+$0x620]  }
0x338: {  	v12 =	vadd.f32 v23, v12;
	v23 =	vmul.f32 v31, v6;
	v31 =	vsub.f32 v40, v14;
	v14 =	vld [tilespmem:$0x1F670]  }
0x339: {  	v59 =	vld [tilespmem:s21+$0x86D0]  }
0x33a: {  	v35 =	vsub.f32 v35, v38;
	v38 =	vld [tilespmem:s21+$0x610]  }
0x33b: {  	v10 =	vsub.f32 v10, v13;
	v19 =	vmul.f32 v19, v57;
	v13 =	vsub.f32 v8, v43;
	v8 =	vld [tilespmem:s21+$0x10690]  }
0x33c: {  	v52 =	vld [tilespmem:s21+$0x86E0]  }
0x33d: {  	v19 =	vadd.f32 $0.0e+00, v19;
	v5 =	vld [tilespmem:s21+$0x10740];
	v62 =	vmul.f32 v58, v14  }
0x33e: {  	v44 =	vld [tilespmem:s21+$0x8740]  }
0x33f: {  	v24 =	vadd.f32 v23, v12;
	v12 =	vadd.f32 v62, v19;
	v19 =	vld [tilespmem:$0x1F680]  }
0x340: {  	v51 =	vld [tilespmem:s21+$0x660]  }
0x341: {  	v22 =	vld [tilespmem:s21+$0x8710]  }
0x342: {  	v7 =	vld [tilespmem:s21+$0x10710]  }
0x343: {  	(xrf2) =	vadd.scan.msk.f32 $0xffff, v0;
	v0 =	vsub.f32 v44, v5;
	v44 =	vld [tilespmem:$0x1F760]  }
0x344: {  	v9 =	vld [tilespmem:s21+$0x8630];
	v19 =	vmul.f32 v35, v19  }
0x345: {  	v33 =	vld [tilespmem:s21+$0x690]  }
0x346: {  	v0 =	vmul.f32 v0, v16;
	v5 =	vadd.f32 v19, v12;
	v12 =	vld [tilespmem:$0x1F6A0]  }
0x347: {  	v19 =	vld [tilespmem:$0x1F6B0]  }
0x348: {  	v16 =	vadd.f32 $0.0e+00, v0;
	v0 =	vld [tilespmem:$0x1F700]  }
0x349: {  	(xrf2) =	vadd.scan.msk.f32 $0xffff, v2;
	v2 =	vld [tilespmem:$0x1F6E0]  }
0x34a: {  	v37 =	vld [tilespmem:s21+$0x86A0]  }
0x34b: {  	v11 =	vld [tilespmem:s21+$0x10630];
	v12 =	vmul.f32 v29, v12  }
0x34c: {  	v17 =	vadd.f32 $0.0e+00, v17;
	v41 =	vld [tilespmem:s21+$0x106A0];
	v10 =	vmul.f32 v10, v19  }
0x34d: {  	v57 =	vmov v46;
	v46 =	vld [tilespmem:$0x1F6D0];
	v15 =	vmul.f32 v15, v0;
	v43 =	vadd.f32 v12, v5  }
0x34e: {  	v5 =	vsub.f32 v2, v53;
	v2 =	vadd.f32 v10, v17;
	v10 =	vld [tilespmem:$0x1F6F0]  }
0x34f: {  	v16 =	vadd.f32 v15, v16;
	v15 =	vld [tilespmem:$0x1F720]  }
0x350: {  	v9 =	vsub.f32 v9, v11;
	v11 =	vld [tilespmem:s21+$0x8640]  }
0x351: {  	v28 =	vld [tilespmem:s21+$0x6C0]  }
0x352: {  	v26 =	vld [tilespmem:$0x1F630]  }
0x353: {  	v1 =	vld [tilespmem:$0x1F620];
	v10 =	vmul.f32 v13, v10  }
0x354: {  	v58 =	vld [tilespmem:s21+$0x106C0]  }
0x355: {  	v5 =	vmul.f32 v5, v15;
	v10 =	vadd.f32 v10, v2;
	v2 =	vld [tilespmem:$0x1F710]  }
0x356: {  	v29 =	vld [tilespmem:s21+$0x86C0]  }
0x357: {  	v20 =	vadd.f32 v3, v20;
	v16 =	vadd.f32 v5, v16;
	v5 =	vld [tilespmem:$0x1F730]  }
0x358: {  	v3 =	vld [tilespmem:s21+$0x10700]  }
0x359: {  	(xrf2) =	vadd.scan.msk.f32 $0xffff, v20;
	v20 =	vld [tilespmem:s21+$0x10680]  }
0x35a: {  	v48 =	vsub.f32 v48, v32;
	v26 =	vsub.f32 v1, v26;
	v1 =	vld [tilespmem:s21+$0x8700];
	v62 =	vmul.f32 v42, v2  }
0x35b: {  	v6 =	vld [tilespmem:s21+$0x10620]  }
0x35c: {  	v15 =	vadd.f32 v62, v10;
	v10 =	vsub.f32 v29, v58;
	v29 =	vmul.f32 v48, v5;
	v5 =	vld [tilespmem:$0x1F740]  }
0x35d: {  	v40 =	vld [tilespmem:s21+$0x10600]  }
0x35e: {  	v23 =	vld [tilespmem:s21+$0x8690]  }
0x35f: {  	v25 =	vsub.f32 v60, v25;
	v19 =	vld [tilespmem:$0x1F6C0]  }
0x360: {  	v17 =	vld [tilespmem:s21+$0x8680]  }
0x361: {  	p0 =	sne.s32 s23, $0x1F000;
	v63 =	vsub.f32 v18, v63;
	v18 =	vmul.f32 v25, v5;
	v5 =	vmul.f32 v10, v28;
	v10 =	vld [tilespmem:$0x1F750]  }
.Ltmp0:
0x362: {  	v7 =	vsub.f32 v22, v7;
	v14 =	vld [tilespmem:s21+$0x680];
	(pc) =	sbr.rel @p0 .LBB2_2-.Ltmp0, $4  }
0x363: {  	v22 =	vsub.f32 v59, v36;
	v35 =	vsub.f32 v52, v21;
	v21 =	vld [tilespmem:s21+$0x640]  }
0x364: {  	v0 =	vsub.f32 v54, v55;
	v12 =	vld [tilespmem:s21+$0x600];
	v32 =	vsub.f32 v19, v46  }
0x365: {  	v59 =	vmovc v47;
	(xrf2) =	vadd.scan.msk.f32 $0xffff, v24;
	v19 =	vld [tilespmem:s21+$0x10610];
	v2 =	vsub.f32 v56, v61;
	v42 =	vsub.f32 v17, v20  }
0x366: {  	s23 =	sadd.s32 $0x1000, s23;
	v13 =	vld [tilespmem:s21+$0x8610];
	v16 =	vadd.f32 v29, v16;
	v25, _, _ =	vpop (xrf2);
	v28 =	vmov v50;
	(xrf2) =	vadd.scan.msk.f32 $0xffff, v43;
	v10 =	vmul.f32 v63, v10  }
0x367: {  	v55 =	vld [tilespmem:s21+$0x10640]  }
0x368: {  	v56 =	vld [tilespmem:s21+$0x8650]  }
0x369: {  	v60 =	vld [tilespmem:$0x1FC80]  }
0x36a: {  	v24 =	vld [tilespmem:s21+$0x10650]  }
0x36b: {  	v62 =	vld [tilespmem:s21+$0x10660]  }
0x36c: {  	v63 =	vld [tilespmem:s21+$0x650]  }
0x36d: {  	v20 =	vmul.f32 v22, v45;
	v22 =	vld [tilespmem:s21+$0x8670]  }
0x36e: {  	v8 =	vsub.f32 v23, v8;
	v23 =	vld [tilespmem:s21+$0x10670]  }
0x36f: {  	v29 =	vld [tilespmem:s21+$0x710]  }
0x370: {  	v58 =	vsub.f32 v34, v40;
	v34 =	vld [tilespmem:s21+$0x10730]  }
0x371: {  	v36 =	vld [tilespmem:$0x1FD00]  }
0x372: {  	v17 =	vsub.f32 v37, v41;
	v37 =	vld [tilespmem:s21+$0x7D0]  }
0x373: {  	v40 =	vld [tilespmem:s21+$0x107F0]  }
0x374: {  	v14 =	vmul.f32 v42, v14;
	v42 =	vld [tilespmem:$0x1FC50]  }
0x375: {  	v43 =	vld [tilespmem:s21+$0x890]  }
0x376: {  	v45 =	vld [tilespmem:$0x1FC60]  }
0x377: {  	v46 =	vld [tilespmem:$0x1FC70]  }
0x378: {  	v47 =	vld [tilespmem:s21+$0x7F0]  }
0x379: {  	v52 =	vld [tilespmem:s21+$0x950]  }
0x37a: {  	v53 =	vld [tilespmem:$0x1FC30]  }
0x37b: {  	v5 =	vadd.f32 $0.0e+00, v5;
	v4 =	vsub.f32 v4, v6;
	v54 =	vld [tilespmem:$0x1FC40]  }
0x37c: {  	v1 =	vsub.f32 v1, v3;
	v61 =	vmul.f32 v8, v33;
	v14 =	vadd.f32 $0.0e+00, v14;
	v33 =	vld [tilespmem:s21+$0x670]  }
0x37d: {  	v5 =	vadd.f32 v20, v5;
	v4 =	vmul.f32 v4, v49;
	v49 =	vld [tilespmem:s21+$0x108B0];
	v20 =	vmul.f32 v35, v60  }
0x37e: {  	v12 =	vmul.f32 v58, v12;
	v58 =	vld [tilespmem:s21+$0x960];
	v13 =	vsub.f32 v13, v19;
	v6 =	vadd.f32 v61, v14  }
0x37f: {  	v11 =	vsub.f32 v11, v55;
	v5 =	vadd.f32 v20, v5;
	v20 =	vld [tilespmem:$0x1FCA0]  }
0x380: {  	v12 =	vadd.f32 $0.0e+00, v12;
	v3 =	vsub.f32 v56, v24;
	v35 =	vld [tilespmem:$0x1FC90];
	v1 =	vmul.f32 v1, v36  }
0x381: {  	v19 =	vld [tilespmem:$0x1FC00];
	v8 =	vsub.f32 v39, v62;
	v13 =	vmul.f32 v13, v38;
	v11 =	vmul.f32 v11, v21  }
0x382: {  	v39 =	vld [tilespmem:s21+$0x730];
	v7 =	vmul.f32 v7, v29;
	v48 =	vmul.f32 v32, v37;
	v38 =	vsub.f32 v22, v23  }
0x383: {  	v55 =	vld [tilespmem:s21+$0x8B0];
	v3 =	vmul.f32 v3, v63;
	v12 =	vadd.f32 v13, v12;
	v11 =	vadd.f32 $0.0e+00, v11  }
0x384: {  	(xrf2) =	vadd.scan.msk.f32 $0xffff, v15;
	v62 =	vld [tilespmem:$0x1FBF0];
	v1 =	vadd.f32 $0.0e+00, v1;
	v5 =	vadd.f32 v18, v5;
	v14 =	vmul.f32 v17, v20  }
0x385: {  	(xrf2) =	vadd.scan.msk.f32 $0xffff, v16;
	v32 =	vld [tilespmem:$0x1FCE0];
	v4 =	vadd.f32 v4, v12;
	v9 =	vmul.f32 v9, v35;
	v3 =	vadd.f32 v3, v11  }
0x386: {  	v8 =	vmul.f32 v8, v51;
	v51 =	vld [tilespmem:$0x1FC20];
	(xrf2) =	vadd.scan.msk.f32 $0xffff, v5;
	v5 =	vsub.f32 v46, v34;
	v6 =	vadd.f32 v14, v6  }
0x387: {  	v0 =	vmul.f32 v0, v42;
	v37 =	vld [tilespmem:$0x1FBB0];
	v4 =	vadd.f32 v9, v4;
	v9 =	vsub.f32 v54, v40  }
0x388: {  	v22 =	vld [tilespmem:s21+$0x970];
	v41 =	vmul.f32 v38, v33;
	v3 =	vadd.f32 v8, v3;
	v6 =	vadd.f32 v10, v6  }
0x389: {  	v2 =	vmul.f32 v2, v45;
	v0 =	vadd.f32 $0.0e+00, v0;
	v63 =	vld [tilespmem:s21+$0x109E0];
	v1 =	vadd.f32 v7, v1  }
0x38a: {  	v20 =	vld [tilespmem:$0x1FC10];
	v50 =	vmul.f32 v5, v39;
	v60 =	vmul.f32 v9, v47;
	v3 =	vadd.f32 v41, v3;
	(xrf2) =	vadd.scan.msk.f32 $0xffff, v6  }
0x38b: {  	v1 =	vadd.f32 v2, v1;
	v9 =	vmul.f32 v27, v62;
	v27 =	vld [tilespmem:$0x1FBD0];
	(xrf2) =	vadd.scan.msk.f32 $0xffff, v4;
	v4 =	vmul.f32 v30, v51  }
0x38c: {  	v0 =	vadd.f32 v48, v0;
	v10 =	vmul.f32 v28, v19;
	v28 =	vld [tilespmem:$0x1FBE0];
	v6 =	vmul.f32 v31, v53;
	(xrf2) =	vadd.scan.msk.f32 $0xffff, v3  }
0x38d: {  	v56 =	vmul.f32 v26, v43;
	v2, _, _ =	vpop (xrf2);
	v1 =	vadd.f32 v50, v1;
	v31 =	vld [tilespmem:$0x1FBC0];
	v4 =	vadd.f32 $0.0e+00, v4  }
0x38e: {  	v35 =	vld [tilespmem:$0x1FCD0];
	v61, _, _ =	vpop (xrf2);
	v5 =	vmul.f32 v57, v52;
	v9 =	vadd.f32 $0.0e+00, v9;
	v0 =	vadd.f32 v6, v0  }
0x38f: {  	v34 =	vld [tilespmem:$0x1FBA0];
	v21, _, _ =	vpop (xrf2);
	v8 =	vsub.f32 v20, v49;
	(xrf2) =	vadd.scan.msk.f32 $0xffff, v1;
	v4 =	vadd.f32 v56, v4  }
0x390: {  	v24 =	vld [tilespmem:s21+$0x109F0];
	v23, _, _ =	vpop (xrf2);
	v5 =	vadd.f32 v5, v9;
	v0 =	vadd.f32 v60, v0  }
0x391: {  	v29 =	vld [tilespmem:s21+$0x9E0];
	v26, _, _ =	vpop (xrf2);
	v30 =	vmul.f32 v59, v58;
	v3 =	vmul.f32 v8, v55;
	v4 =	vadd.f32 v10, v4  }
0x392: {  	v12 =	vsub.f32 v37, v63;
	v33, _, _ =	vpop (xrf2);
	v11 =	vmul.f32 v32, v31;
	(xrf2) =	vadd.scan.msk.f32 $0xffff, v0;
	v10 =	vsub.f32 v27, v28  }
0x393: {  	v38 =	vld [tilespmem:s21+$0x9F0];
	v36, _, _ =	vpop (xrf2);
	v5 =	vadd.f32 v30, v5;
	v3 =	vadd.f32 v3, v4  }
0x394: {  	v40 =	vadd.f32 $0.0e+00, v11;
	v4 =	vmul.f32 v35, v34;
	v1 =	vmul.f32 v10, v22;
	v39, _, _ =	vpop (xrf2)  }
0x395: {  	v41 =	vsub.f32 v44, v24;
	(xrf2) =	vadd.scan.msk.f32 $0xffff, v3;
	v42, _, _ =	vpop (xrf2)  }
0x396: {  	v43 =	vmul.f32 v12, v29;
	v1 =	vadd.f32 v1, v5;
	v4 =	vadd.f32 v4, v40;
	v44, _, _ =	vpop (xrf2)  }
0x397: {  	v3 =	vbroadcast v42, $0xF;
	v10 =	vbroadcast v44, $0xF  }
0x398: {  	v45 =	vmul.f32 v41, v38;
	v46 =	vbroadcast v39, $0xF;
	v4 =	vadd.f32 v43, v4;
	(xrf2) =	vadd.scan.msk.f32 $0xffff, v1  }
0x399: {  	v47 =	vbroadcast v36, $0xF;
	v48, _, _ =	vpop (xrf2);
	v3 =	vsel vm0, v3, v10  }
0x39a: {  	v50 =	vbroadcast v48, $0xF;
	v49 =	vadd.f32 v45, v4;
	v1 =	vsel vm1, v3, v46  }
0x39b: {  	v0 =	vbroadcast v33, $0xF;
	v1 =	vsel vm2, v1, v47  }
0x39c: {  	v51 =	vbroadcast v26, $0xF;
	v52, _, _ =	vpop (xrf2);
	(xrf2) =	vadd.scan.msk.f32 $0xffff, v49;
	v1 =	vsel vm3, v1, v50  }
0x39d: {  	v53 =	vbroadcast v52, $0xF;
	v0 =	vsel vm4, v1, v0  }
0x39e: {  	v54 =	vbroadcast v23, $0xF;
	v0 =	vsel vm5, v0, v51  }
0x39f: {  	v55 =	vbroadcast v21, $0xF;
	v0 =	vsel vm6, v0, v53;
	v56, _, _ =	vpop (xrf2)  }
0x3a0: {  	v0 =	vsel vm7, v0, v54;
	v57 =	vbroadcast v56, $0xF  }
0x3a1: {  	v58 =	vbroadcast v61, $0xF;
	v0 =	vsel vm8, v0, v55  }
0x3a2: {  	s20 =	sadd.s32 $0x10, s20;
	v2 =	vbroadcast v2, $0xF;
	v59, _, _ =	vpop (xrf2);
	v0 =	vsel vm9, v0, v57  }
0x3a3: {  	v61 =	vld [tilespmem:s20+$0x0];
	v60 =	vbroadcast v59, $0xF;
	v0 =	vsel vm10, v0, v58  }
0x3a4: {  	v62 =	vbroadcast v25, $0xF;
	v0 =	vsel vm11, v0, v2  }
0x3a5: {  	v0 =	vsel vm12, v0, v60  }
0x3a6: {  	v63, _, _ =	vpop (xrf2);
	v0 =	vsel vm13, v0, v62  }
0x3a7: {  	v0 =	vsel vm14, v0, v63  }
0x3a8: {  	v0 =	vadd.f32 v0, v61;
	_ =	sdelay $0x1  }
0x3a9: {  	v0 =	vsub.f32 $0.0e+00, v0;
	_ =	sdelay $0x1  }
0x3aa: {  	v0 =	vmul.f32 $1.442695020e+00, v0;
	_ =	sdelay $0x1  }
0x3ab: {  	(erf) = vpow2.f32 v0;
	_ =	sdelay $0x8  }
0x3ac: {  	v0 =	vpop (erf)  }
0x3ad: {  	v0 =	vadd.f32 $1.000000000e+00, v0;
	_ =	sdelay $0x1  }
0x3ae: {  	(erf) = vrcp.f32 v0;
	_ =	sdelay $0x7  }
0x3af: {  	s19 =	sadd.s32 $0x1, s19  }
0x3b0: {  	s31 =	sadd.s32 $0x10, s22;
	p0 =	sne.s32 s19, s10;
	v0 =	vpop (erf)  }
.Ltmp1:
0x3b1: {  	[tilespmem:s31+$0x0] =	vst v0;
	(pc) =	sbr.rel @p0 .LBB2_1-.Ltmp1, $4  }
0x3b2: {  	[hbm4b:s9+s1] =	stream.linear.scatter [tilespmem:s18], [sflag:$0x2], $0x200, $0x38;
	[tilespmem:$0x18A00] =	vst v63  }
0x3b3: {  	_ =	swait.ge [sflag:s11], $0x200  }
0x3b4: {  	[sflag:s11] =	ssyncset.done $0x0  }
0x3b5: {  	[sflag:s11] =	ssyncadd.s32 $0xFFFFFE00  }
0x3b6: {  	_ =	sfence.sel $0x180000  }
0x3b7: {  	[bflag:$0x0] =	sbarrier.arrive $0xFFFF  }
0x3b8: {  	p0 =	sne.s32 s2, $0x0;
	_ =	strace $0x90000047  }
0x3b9: {  	s0 =	sadd.s32 @!p0 $0x100000, s0;
	[bflag:$0x2] =	sbarrier.arrive $0xFFFF  }
0x3ba: {  	[sflag:s0] =	ssyncadd.tile.s32 @!p0 $0x1;
	_ =	shalt  }
.Lfunc_end2:
_tile_overlayer_lowered:
.L_overlay_start_2:
0x3bb: {  	(tag) =	ssettag $0x2  }
0x3bc: {  	s0 =	rddreg [dreg:$0x0];
	s2 =	stileid.u32  }
0x3bd: {  	s1 =	rddreg [dreg:$0x1];
	p0 =	sne.s32 s2, $0x0  }
0x3be: {  	s3 =	rddreg [dreg:$0x2];
	[bflag:$0x3] =	sbarrier.arrive $0xFFFF;
	s2 =	simm.s32 @!p0 $0x1C02  }
0x3bf: {  	[timem:s3], [sflag:s2] =	dma.local @!p0 [hbm:s0], s1  }
0x3c0: {  	s0 =	simm.s32 @!p0 $0x2  }
0x3c1: {  	_ =	swait.ge @!p0 [sflag:s0], s1  }
0x3c2: {  	s1 =	ssub.s32 @!p0 $0x0, s1;
	[sflag:s0] =	ssyncset.done @!p0 $0x0  }
0x3c3: {  	[sflag:s0] =	ssyncadd.s32 @!p0 s1  }
0x3c4: {  	[bflag:$0x3] =	sbarrier.arrive $0xFFFF  }
0x3c5: {  	_ =	shalt  }

</sc_bundles>
